<compile_context>
chip_gen: v7x
topology: tpu7x:2x2x1
jax: 0.10.2.dev20260603
libtpu: 0.0.44.dev20260713+nightly
codegen_flags: <defaults>
</compile_context>

<pallas_src>
import functools
import jax
import jax.numpy as jnp
from jax import lax
from jax.experimental import pallas as pl
from jax.experimental.pallas import tpu as pltpu
from jax.experimental.pallas import tpu_sc as plsc

N = 10000
NP = 10240
D = 128
DA = 144
H = 256
E = 320000
NSC = 2
NT = 16
CH = 80
ROWS_T = NP // NT
_SC_MESH = plsc.VectorSubcoreMesh(core_axis_name="c", subcore_axis_name="s", num_cores=NSC, num_subcores=NT)
_SC_PARAMS = pltpu.CompilerParams(use_tc_tiling_on_sc=False)


@functools.partial(
    pl.kernel,
    out_type=jax.ShapeDtypeStruct((NSC, NP, 16), jnp.float32),
    mesh=_SC_MESH,
    compiler_params=_SC_PARAMS,
    scratch_types=[
        pltpu.VMEM_SHARED((NP, 16), jnp.float32),
        pltpu.VMEM((125, CH), jnp.int32),
        pltpu.VMEM((CH, 16), jnp.float32),
        pltpu.VMEM((CH, 16), jnp.float32),
    ],
)
def _deg_kernel(dst_hbm, deg_hbm, deg_sh, dst_v, ones_v, zeros_v):
    c = lax.axis_index("c")
    s = lax.axis_index("s")
    wid = c * NT + s

    def _fill(i, carry):
        ones_v[i, :] = jnp.full((16,), 1.0, jnp.float32)
        zeros_v[i, :] = jnp.zeros((16,), jnp.float32)
        return carry
    lax.fori_loop(0, CH, _fill, 0)

    def _zero(j, carry):
        pltpu.sync_copy(zeros_v, deg_sh.at[pl.ds(s * ROWS_T + j * CH, CH)])
        return carry
    lax.fori_loop(0, ROWS_T // CH, _zero, 0)
    plsc.subcore_barrier()

    pltpu.sync_copy(dst_hbm.at[wid], dst_v)

    def _acc(j, carry):
        pltpu.sync_copy(ones_v, deg_sh.at[dst_v.at[j]], add=True)
        return carry
    lax.fori_loop(0, 125, _acc, 0)
    plsc.subcore_barrier()

    pltpu.sync_copy(deg_sh.at[pl.ds(s * ROWS_T, ROWS_T)],
                    deg_hbm.at[c, pl.ds(s * ROWS_T, ROWS_T)])


def _scale_body(xa_ref, d_ref, y_ref, r_ref):
    deg = d_ref[0, :, :] + d_ref[1, :, :]
    r = lax.rsqrt(jnp.maximum(deg, 1.0))
    r_ref[:, :] = r
    y_ref[:, :] = xa_ref[:, :] * r[:, 0:1]


def _scale_call(x_aug, deg):
    bn = 1024
    grid = NP // bn
    return pl.pallas_call(
        _scale_body,
        grid=(grid,),
        in_specs=[
            pl.BlockSpec((bn, DA), lambda i: (i, 0)),
            pl.BlockSpec((NSC, bn, 16), lambda i: (0, i, 0)),
        ],
        out_specs=[
            pl.BlockSpec((bn, DA), lambda i: (i, 0)),
            pl.BlockSpec((bn, 16), lambda i: (i, 0)),
        ],
        out_shape=[
            jax.ShapeDtypeStruct((NP, DA), jnp.float32),
            jax.ShapeDtypeStruct((NP, 16), jnp.float32),
        ],
    )(x_aug, deg)


@functools.partial(
    pl.kernel,
    out_type=[
        jax.ShapeDtypeStruct((NSC, NP, DA), jnp.float32),
        jax.ShapeDtypeStruct((NSC, NP, DA), jnp.float32),
    ],
    mesh=_SC_MESH,
    compiler_params=_SC_PARAMS,
    scratch_types=[
        pltpu.VMEM_SHARED((NP, DA), jnp.float32),
        pltpu.VMEM((CH,), jnp.int32),
        pltpu.VMEM((CH,), jnp.int32),
        pltpu.VMEM((CH,), jnp.int32),
        pltpu.VMEM((CH,), jnp.int32),
        pltpu.VMEM((CH, DA), jnp.float32),
        pltpu.VMEM((CH, DA), jnp.float32),
        pltpu.VMEM((8, CH), jnp.int32),
        pltpu.VMEM((CH, 16), jnp.float32),
        pltpu.SemaphoreType.DMA,
        pltpu.SemaphoreType.DMA,
    ],
)
def _agg_kernel(y_hbm, xa_hbm, rdeg_hbm, perm_hbm, src_hbm, dst_hbm,
                acc_hbm, tab_hbm,
                acc_sh, src_a, dst_a, src_b, dst_b, rows_a, rows_b,
                pidx_v, rdeg_v, sem_a, sem_b):
    c = lax.axis_index("c")
    s = lax.axis_index("s")
    row0 = s * ROWS_T

    def _fill(i, carry):
        def _fill16(k, inner):
            rows_b[i, pl.ds(k * 16, 16)] = jnp.zeros((16,), jnp.float32)
            return inner
        lax.fori_loop(0, DA // 16, _fill16, 0)
        return carry
    lax.fori_loop(0, CH, _fill, 0)

    def _zero(j, carry):
        pltpu.sync_copy(rows_b, acc_sh.at[pl.ds(row0 + j * CH, CH)])
        return carry
    lax.fori_loop(0, ROWS_T // CH, _zero, 0)

    @pl.when(c == 0)
    def _():
        pltpu.sync_copy(y_hbm.at[pl.ds(row0, ROWS_T)],
                        tab_hbm.at[c, pl.ds(row0, ROWS_T)])

    @pl.when(c == 1)
    def _():
        pltpu.sync_copy(perm_hbm.at[s], pidx_v)

        def _gather(j, carry):
            pltpu.async_copy(xa_hbm.at[pidx_v.at[j]], rows_a, sem_a).wait()
            pltpu.sync_copy(rdeg_hbm.at[pl.ds(row0 + j * CH, CH)], rdeg_v)

            def _scale_row(r, c1):
                rv = rdeg_v[r, :]

                def _scale16(k, c2):
                    rows_a[r, pl.ds(k * 16, 16)] = rows_a[r, pl.ds(k * 16, 16)] * rv
                    return c2
                lax.fori_loop(0, DA // 16, _scale16, 0)
                return c1
            lax.fori_loop(0, CH, _scale_row, 0)
            pltpu.sync_copy(rows_a, tab_hbm.at[c, pl.ds(row0 + j * CH, CH)])
            return carry
        lax.fori_loop(0, ROWS_T // CH, _gather, 0)

    plsc.subcore_barrier()

    table = tab_hbm.at[c]
    NCHUNK = (E // NT) // CH

    def _fetch_a(j):
        pltpu.sync_copy(src_hbm.at[s, j], src_a)
        pltpu.sync_copy(dst_hbm.at[s, j], dst_a)
        pltpu.async_copy(table.at[src_a], rows_a, sem_a)

    def _fetch_b(j):
        pltpu.sync_copy(src_hbm.at[s, j], src_b)
        pltpu.sync_copy(dst_hbm.at[s, j], dst_b)
        pltpu.async_copy(table.at[src_b], rows_b, sem_b)

    _fetch_a(0)

    def _pair(t, carry):
        j0 = 2 * t
        _fetch_b(j0 + 1)
        pltpu.make_async_copy(table.at[src_a], rows_a, sem_a).wait()
        pltpu.sync_copy(rows_a, acc_sh.at[dst_a], add=True)

        @pl.when(t < NCHUNK // 2 - 1)
        def _():
            _fetch_a(j0 + 2)

        pltpu.make_async_copy(table.at[src_b], rows_b, sem_b).wait()
        pltpu.sync_copy(rows_b, acc_sh.at[dst_b], add=True)
        return carry
    lax.fori_loop(0, NCHUNK // 2, _pair, 0)

    plsc.subcore_barrier()
    pltpu.sync_copy(acc_sh.at[pl.ds(row0, ROWS_T)],
                    acc_hbm.at[c, pl.ds(row0, ROWS_T)])


def _out_body(accp_ref, accn_ref, r_ref, wb_ref, a_ref, pz_ref, nz_ref, sm_ref):
    i = pl.program_id(0)
    wb = wb_ref[:, :]
    r = r_ref[:, 0:1]
    slope = a_ref[0, 0]

    hp = jnp.dot(accp_ref[0, :, :], wb, preferred_element_type=jnp.float32) * r
    pz = jnp.where(hp > 0, hp, slope * hp)
    pz_ref[:, :] = pz

    hn = jnp.dot(accn_ref[0, :, :], wb, preferred_element_type=jnp.float32) * r
    nz = jnp.where(hn > 0, hn, slope * hn)
    nz_ref[:, :] = nz

    @pl.when(i == 0)
    def _():
        sm_ref[:, :] = jnp.zeros((8, H), jnp.float32)

    sm_ref[0:1, :] += jnp.sum(pz, axis=0, keepdims=True)

    @pl.when(i == pl.num_programs(0) - 1)
    def _():
        sm_ref[0:1, :] = jax.nn.sigmoid(sm_ref[0:1, :] * (1.0 / N))


def _out_call(acc, rdeg, wb, a2d):
    bn = 1024
    grid = NP // bn
    return pl.pallas_call(
        _out_body,
        grid=(grid,),
        in_specs=[
            pl.BlockSpec((1, bn, DA), lambda i: (0, i, 0)),
            pl.BlockSpec((1, bn, DA), lambda i: (1, i, 0)),
            pl.BlockSpec((bn, 16), lambda i: (i, 0)),
            pl.BlockSpec((DA, H), lambda i: (0, 0)),
            pl.BlockSpec((1, 1), lambda i: (0, 0)),
        ],
        out_specs=[
            pl.BlockSpec((bn, H), lambda i: (i, 0)),
            pl.BlockSpec((bn, H), lambda i: (i, 0)),
            pl.BlockSpec((8, H), lambda i: (0, 0)),
        ],
        out_shape=[
            jax.ShapeDtypeStruct((NP, H), jnp.float32),
            jax.ShapeDtypeStruct((NP, H), jnp.float32),
            jax.ShapeDtypeStruct((8, H), jnp.float32),
        ],
    )(acc, acc, rdeg, wb, a2d)


@jax.jit
def kernel(x, edge_index, W, b, a):
    src = edge_index[0].astype(jnp.int32)
    dst = edge_index[1].astype(jnp.int32)

    x_aug = jnp.concatenate(
        [x, jnp.ones((N, 1), jnp.float32), jnp.zeros((N, 15), jnp.float32)], axis=1)
    x_aug = jnp.pad(x_aug, ((0, NP - N), (0, 0)))
    wb = jnp.concatenate([W, b[None, :], jnp.zeros((15, H), jnp.float32)], axis=0)
    perm = jax.random.permutation(jax.random.key(42), N).astype(jnp.int32)
    perm_pad = jnp.pad(perm, (0, NP - N)).reshape(NT, (NP // NT) // CH, CH)
    dst_a = dst.reshape(NSC * NT, (E // (NSC * NT)) // CH, CH)
    src_c = src.reshape(NT, (E // NT) // CH, CH)
    dst_c = dst.reshape(NT, (E // NT) // CH, CH)
    a2d = a.reshape(1, 1)

    deg = _deg_kernel(dst_a)
    y, rdeg = _scale_call(x_aug, deg)
    acc, _unused = _agg_kernel(y, x_aug, rdeg, perm_pad, src_c, dst_c)
    pz, nz, sm = _out_call(acc, rdeg, wb, a2d)

    return (pz[:N], nz[:N], sm[0, :])

# --- scband reference (transcript-rebuilt; emitter-appended) ---
"""Pipeline reference for scband-infomax-17093969838149 (READ-ONLY COPY).

The authoritative reference and input builder live on the scoring server;
editing this copy changes nothing except your own understanding.
"""

import jax, jax.numpy as jnp
import numpy as np

N = 10000
E = 320000
D = 128
H = 256


def setup_inputs(seed: int = 0) -> dict:
    key = jax.random.key(seed)
    k1, k2, k3 = jax.random.split(key, 3)
    x = jax.random.normal(k1, (N, D), dtype=jnp.float32)
    edge_index = jax.random.randint(k2, (2, E), 0, N)
    W = jax.random.normal(k3, (D, H), dtype=jnp.float32) * (1.0 / np.sqrt(D))
    b = jnp.zeros((H,), dtype=jnp.float32)
    a = jnp.full((1,), 0.25, dtype=jnp.float32)  # PReLU slope
    return {"x": x, "edge_index": edge_index, "W": W, "b": b, "a": a}


def _prelu(x, a):
    return jnp.where(x > 0, x, a * x)


def _gcn_encoder(x, edge_index, W, b, a):
    # GCNConv with symmetric normalization, then PReLU (standard DGI encoder)
    src = edge_index[0]
    dst = edge_index[1]
    h = x @ W + b
    n = x.shape[0]
    deg = jnp.zeros((n,), dtype=h.dtype).at[dst].add(1.0)
    deg = jnp.maximum(deg, 1.0)
    norm = jax.lax.rsqrt(deg[src]) * jax.lax.rsqrt(deg[dst])
    msg = h[src] * norm[:, None]
    out = jnp.zeros_like(h).at[dst].add(msg)
    return _prelu(out, a)


def reference(x, edge_index, W, b, a):
    # DeepGraphInfomax forward: pos_z = enc(x, ei); neg_z = enc(corrupt(x), ei);
    # summary = sigmoid(mean(pos_z, dim=0)). Corruption = node-feature permutation
    # (fixed key for determinism in place of torch.randperm).
    pos_z = _gcn_encoder(x, edge_index, W, b, a)
    perm = jax.random.permutation(jax.random.key(42), x.shape[0])
    x_cor = x[perm]
    neg_z = _gcn_encoder(x_cor, edge_index, W, b, a)
    summary = jax.nn.sigmoid(jnp.mean(pos_z, axis=0))
    return (pos_z, neg_z, summary)

if __name__ == "__main__":
    import jax
    _d = setup_inputs()
    print(jax.jit(kernel)(*tuple(_d.values())))

</pallas_src>

<mosaic_0001>
#map = affine_map<(d0, d1) -> (0, 0)>
#map1 = affine_map<(d0, d1) -> (0, 0, 0)>
module attributes {stable_mosaic.version = 14 : i64} {
  func.func @_agg_kernel(%arg0: i32, %arg1: i32, %arg2: memref<10240x144xf32, #tpu.memory_space<hbm>>, %arg3: memref<10240x144xf32, #tpu.memory_space<hbm>>, %arg4: memref<10240x16xf32, #tpu.memory_space<hbm>>, %arg5: memref<16x8x80xi32, #tpu.memory_space<hbm>>, %arg6: memref<16x250x80xi32, #tpu.memory_space<hbm>>, %arg7: memref<16x250x80xi32, #tpu.memory_space<hbm>>, %arg8: memref<2x10240x144xf32, #tpu.memory_space<hbm>>, %arg9: memref<2x10240x144xf32, #tpu.memory_space<hbm>>, %arg10: memref<10240x144xf32, #tpu.memory_space<vmem_shared>>, %arg11: memref<80xi32, #tpu.memory_space<vmem>>, %arg12: memref<80xi32, #tpu.memory_space<vmem>>, %arg13: memref<80xi32, #tpu.memory_space<vmem>>, %arg14: memref<80xi32, #tpu.memory_space<vmem>>, %arg15: memref<80x144xf32, #tpu.memory_space<vmem>>, %arg16: memref<80x144xf32, #tpu.memory_space<vmem>>, %arg17: memref<8x80xi32, #tpu.memory_space<vmem>>, %arg18: memref<80x16xf32, #tpu.memory_space<vmem>>, %arg19: memref<!tpu.dma_semaphore, #tpu.memory_space<semaphore_mem>>, %arg20: memref<!tpu.dma_semaphore, #tpu.memory_space<semaphore_mem>>) attributes {dimension_semantics = [#tpu.dimension_semantics<core_parallel>, #tpu.dimension_semantics<subcore_parallel>], iteration_bounds = array<i64: 2, 16>, scalar_prefetch = 0 : i64, scratch_operands = 11 : i64, tpu.core_type = #tpu.core_type<sc_vector_subcore>, window_params = [{transform_indices = #map}, {transform_indices = #map}, {transform_indices = #map}, {transform_indices = #map1}, {transform_indices = #map1}, {transform_indices = #map1}, {transform_indices = #map1}, {transform_indices = #map1}]} {
    %mul3A = arith.constant 640 : i32
    %mul3A_0 = arith.muli %arg1, %mul3A : i32
    %scan3A = arith.constant 0 : i32
    %scan3A_1 = arith.constant 0 : i32
    %scan3A_2 = arith.constant 80 : i32
    %scan3A_3 = arith.addi %scan3A_1, %scan3A_2 : i32
    %scan3A_4 = arith.constant 1 : i32
    scf.for %scan3A_33 = %scan3A_1 to %scan3A_3 step %scan3A_4  : i32 {
      %scan3A_34 = arith.constant 0 : i32
      %scan3A_35 = arith.constant 0 : i32
      %scan3A_36 = arith.constant 9 : i32
      %scan3A_37 = arith.addi %scan3A_35, %scan3A_36 : i32
      %scan3A_38 = arith.constant 1 : i32
      scf.for %scan3A_40 = %scan3A_35 to %scan3A_37 step %scan3A_38  : i32 {
        %broadcast_in_dim3A = arith.constant 0.000000e+00 : f32
        %broadcast_in_dim3A_41 = vector.broadcast %broadcast_in_dim3A : f32 to vector<16xf32>
        %mul3A_42 = arith.constant 16 : i32
        %mul3A_43 = arith.muli %scan3A_40, %mul3A_42 : i32
        %swap3A = arith.index_cast %scan3A_33 : i32 to index
        %swap3A_44 = arith.index_cast %mul3A_43 : i32 to index
        %swap3A_45 = tpu.vector_load %arg16[%swap3A, %swap3A_44] {strides = array<i32>} : memref<80x144xf32, #tpu.memory_space<vmem>>, vector<1x16xf32>,
        %swap3A_46 = vector.shape_cast %swap3A_45 : vector<1x16xf32> to vector<16xf32>
        %swap3A_47 = vector.shape_cast %broadcast_in_dim3A_41 : vector<16xf32> to vector<1x16xf32>
        tpu.vector_store %arg16[%swap3A, %swap3A_44], %swap3A_47 {strides = array<i32>} : memref<80x144xf32, #tpu.memory_space<vmem>>, vector<1x16xf32>,
      }
      %scan3A_39 = arith.constant 9 : i32
    }
    %scan3A_5 = arith.constant 80 : i32
    %scan3A_6 = arith.constant 0 : i32
    %scan3A_7 = arith.constant 0 : i32
    %scan3A_8 = arith.constant 8 : i32
    %scan3A_9 = arith.addi %scan3A_7, %scan3A_8 : i32
    %scan3A_10 = arith.constant 1 : i32
    scf.for %scan3A_33 = %scan3A_7 to %scan3A_9 step %scan3A_10  : i32 {
      %mul3A_34 = arith.constant 80 : i32
      %mul3A_35 = arith.muli %scan3A_33, %mul3A_34 : i32
      %add3A = arith.addi %mul3A_0, %mul3A_35 : i32
      "tpu.region"() ({
        %run_scoped3A_36 = tpu.sem_alloc : memref<!tpu.dma_semaphore, #tpu.memory_space<semaphore_mem>>
        %dma_start3A_37 = arith.constant 0 : i32
        %dma_start3A_38 = tpu.memref_slice %arg10[%add3A, %dma_start3A_37] : memref<10240x144xf32, #tpu.memory_space<vmem_shared>> -> memref<80x144xf32, #tpu.memory_space<vmem_shared>>
        %dma_start3A_39 = arith.constant 0 : i32
        %dma_start3A_40 = tpu.memref_slice %arg10[%add3A, %dma_start3A_39] : memref<10240x144xf32, #tpu.memory_space<vmem_shared>> -> memref<80x144xf32, #tpu.memory_space<vmem_shared>>
        tpu.enqueue_dma source(%arg16 : memref<80x144xf32, #tpu.memory_space<vmem>>) target(%dma_start3A_40 : memref<80x144xf32, #tpu.memory_space<vmem_shared>>) target_semaphore(%run_scoped3A_36 : memref<!tpu.dma_semaphore, #tpu.memory_space<semaphore_mem>>)
        %dma_wait3A = arith.constant 0 : i32
        %dma_wait3A_41 = tpu.memref_slice %arg10[%add3A, %dma_wait3A] : memref<10240x144xf32, #tpu.memory_space<vmem_shared>> -> memref<80x144xf32, #tpu.memory_space<vmem_shared>>
        %dma_wait3A_42 = arith.constant 0 : i32
        %dma_wait3A_43 = tpu.memref_slice %arg10[%add3A, %dma_wait3A_42] : memref<10240x144xf32, #tpu.memory_space<vmem_shared>> -> memref<80x144xf32, #tpu.memory_space<vmem_shared>>
        tpu.wait_dma2 semaphore(%run_scoped3A_36 : memref<!tpu.dma_semaphore, #tpu.memory_space<semaphore_mem>>) src(%arg16 : memref<80x144xf32, #tpu.memory_space<vmem>>) dst(%dma_wait3A_43 : memref<80x144xf32, #tpu.memory_space<vmem_shared>>)
        tpu.yield
      }) : () -> ()
    }
    %scan3A_11 = arith.constant 8 : i32
    %eq3A = arith.constant 0 : i32
    %eq3A_12 = arith.cmpi eq, %arg0, %eq3A : i32
    %convert_element_type3A = arith.extui %eq3A_12 : i1 to i32
    %cond3A = arith.constant 0 : i32
    %cond3A_13 = arith.cmpi ne, %convert_element_type3A, %cond3A : i32
    scf.if %cond3A_13 {
      "tpu.region"() ({
        %run_scoped3A_33 = tpu.sem_alloc : memref<!tpu.dma_semaphore, #tpu.memory_space<semaphore_mem>>
        %dma_start3A_34 = arith.constant 0 : i32
        %dma_start3A_35 = tpu.memref_slice %arg9[%arg0, %mul3A_0, %dma_start3A_34] : memref<2x10240x144xf32, #tpu.memory_space<hbm>> -> memref<1x640x144xf32, #tpu.memory_space<hbm>>
        %dma_start3A_36 = tpu.memref_squeeze %dma_start3A_35 : memref<1x640x144xf32, #tpu.memory_space<hbm>> -> memref<640x144xf32, #tpu.memory_space<hbm>>
        %dma_start3A_37 = arith.constant 0 : i32
        %dma_start3A_38 = tpu.memref_slice %arg2[%mul3A_0, %dma_start3A_37] : memref<10240x144xf32, #tpu.memory_space<hbm>> -> memref<640x144xf32, #tpu.memory_space<hbm>>
        tpu.enqueue_dma source(%dma_start3A_38 : memref<640x144xf32, #tpu.memory_space<hbm>>) target(%dma_start3A_36 : memref<640x144xf32, #tpu.memory_space<hbm>>) target_semaphore(%run_scoped3A_33 : memref<!tpu.dma_semaphore, #tpu.memory_space<semaphore_mem>>)
        %dma_wait3A = arith.constant 0 : i32
        %dma_wait3A_39 = tpu.memref_slice %arg9[%arg0, %mul3A_0, %dma_wait3A] : memref<2x10240x144xf32, #tpu.memory_space<hbm>> -> memref<1x640x144xf32, #tpu.memory_space<hbm>>
        %dma_wait3A_40 = tpu.memref_squeeze %dma_wait3A_39 : memref<1x640x144xf32, #tpu.memory_space<hbm>> -> memref<640x144xf32, #tpu.memory_space<hbm>>
        %dma_wait3A_41 = arith.constant 0 : i32
        %dma_wait3A_42 = tpu.memref_slice %arg2[%mul3A_0, %dma_wait3A_41] : memref<10240x144xf32, #tpu.memory_space<hbm>> -> memref<640x144xf32, #tpu.memory_space<hbm>>
        tpu.wait_dma2 semaphore(%run_scoped3A_33 : memref<!tpu.dma_semaphore, #tpu.memory_space<semaphore_mem>>) src(%dma_wait3A_42 : memref<640x144xf32, #tpu.memory_space<hbm>>) dst(%dma_wait3A_40 : memref<640x144xf32, #tpu.memory_space<hbm>>)
        tpu.yield
      }) : () -> ()
    } else {
    }
    %eq3A_14 = arith.constant 1 : i32
    %eq3A_15 = arith.cmpi eq, %arg0, %eq3A_14 : i32
    %convert_element_type3A_16 = arith.extui %eq3A_15 : i1 to i32
    %cond3A_17 = arith.constant 0 : i32
    %cond3A_18 = arith.cmpi ne, %convert_element_type3A_16, %cond3A_17 : i32
    scf.if %cond3A_18 {
      "tpu.region"() ({
        %run_scoped3A_39 = tpu.sem_alloc : memref<!tpu.dma_semaphore, #tpu.memory_space<semaphore_mem>>
        %dma_start3A_40 = arith.constant 0 : i32
        %dma_start3A_41 = arith.constant 0 : i32
        %dma_start3A_42 = tpu.memref_slice %arg5[%arg1, %dma_start3A_40, %dma_start3A_41] : memref<16x8x80xi32, #tpu.memory_space<hbm>> -> memref<1x8x80xi32, #tpu.memory_space<hbm>>
        %dma_start3A_43 = tpu.memref_squeeze %dma_start3A_42 : memref<1x8x80xi32, #tpu.memory_space<hbm>> -> memref<8x80xi32, #tpu.memory_space<hbm>>
        %dma_start3A_44 = arith.constant 0 : i32
        %dma_start3A_45 = arith.constant 0 : i32
        %dma_start3A_46 = tpu.memref_slice %arg5[%arg1, %dma_start3A_44, %dma_start3A_45] : memref<16x8x80xi32, #tpu.memory_space<hbm>> -> memref<1x8x80xi32, #tpu.memory_space<hbm>>
        %dma_start3A_47 = tpu.memref_squeeze %dma_start3A_46 : memref<1x8x80xi32, #tpu.memory_space<hbm>> -> memref<8x80xi32, #tpu.memory_space<hbm>>
        tpu.enqueue_dma source(%dma_start3A_47 : memref<8x80xi32, #tpu.memory_space<hbm>>) target(%arg17 : memref<8x80xi32, #tpu.memory_space<vmem>>) target_semaphore(%run_scoped3A_39 : memref<!tpu.dma_semaphore, #tpu.memory_space<semaphore_mem>>)
        %dma_wait3A = arith.constant 0 : i32
        %dma_wait3A_48 = arith.constant 0 : i32
        %dma_wait3A_49 = tpu.memref_slice %arg5[%arg1, %dma_wait3A, %dma_wait3A_48] : memref<16x8x80xi32, #tpu.memory_space<hbm>> -> memref<1x8x80xi32, #tpu.memory_space<hbm>>
        %dma_wait3A_50 = tpu.memref_squeeze %dma_wait3A_49 : memref<1x8x80xi32, #tpu.memory_space<hbm>> -> memref<8x80xi32, #tpu.memory_space<hbm>>
        %dma_wait3A_51 = arith.constant 0 : i32
        %dma_wait3A_52 = arith.constant 0 : i32
        %dma_wait3A_53 = tpu.memref_slice %arg5[%arg1, %dma_wait3A_51, %dma_wait3A_52] : memref<16x8x80xi32, #tpu.memory_space<hbm>> -> memref<1x8x80xi32, #tpu.memory_space<hbm>>
        %dma_wait3A_54 = tpu.memref_squeeze %dma_wait3A_53 : memref<1x8x80xi32, #tpu.memory_space<hbm>> -> memref<8x80xi32, #tpu.memory_space<hbm>>
        tpu.wait_dma2 semaphore(%run_scoped3A_39 : memref<!tpu.dma_semaphore, #tpu.memory_space<semaphore_mem>>) src(%dma_wait3A_54 : memref<8x80xi32, #tpu.memory_space<hbm>>) dst(%arg17 : memref<8x80xi32, #tpu.memory_space<vmem>>)
        tpu.yield
      }) : () -> ()
      %scan3A_33 = arith.constant 0 : i32
      %scan3A_34 = arith.constant 0 : i32
      %scan3A_35 = arith.constant 8 : i32
      %scan3A_36 = arith.addi %scan3A_34, %scan3A_35 : i32
      %scan3A_37 = arith.constant 1 : i32
      scf.for %scan3A_39 = %scan3A_34 to %scan3A_36 step %scan3A_37  : i32 {
        %dma_start3A_40 = arith.constant 0 : i32
        %dma_start3A_41 = tpu.memref_slice %arg17[%scan3A_39, %dma_start3A_40] : memref<8x80xi32, #tpu.memory_space<vmem>> -> memref<1x80xi32, #tpu.memory_space<vmem>>
        %dma_start3A_42 = tpu.memref_squeeze %dma_start3A_41 : memref<1x80xi32, #tpu.memory_space<vmem>> -> memref<80xi32, #tpu.memory_space<vmem>>
        %dma_start3A_43 = arith.constant 0 : i32
        %dma_start3A_44 = arith.constant 0 : i32
        %dma_start3A_45 = tpu.memref_slice %arg3[%dma_start3A_43, %dma_start3A_44] : memref<10240x144xf32, #tpu.memory_space<hbm>> -> memref<10240x144xf32, #tpu.memory_space<hbm>>
        tpu.enqueue_indirect_dma source(%dma_start3A_45 : memref<10240x144xf32, #tpu.memory_space<hbm>>) target(%arg15 : memref<80x144xf32, #tpu.memory_space<vmem>>) offsets(%dma_start3A_42 : memref<80xi32, #tpu.memory_space<vmem>>) semaphore(%arg19 : memref<!tpu.dma_semaphore, #tpu.memory_space<semaphore_mem>>)
        %dma_wait3A = arith.constant 0 : i32
        %dma_wait3A_46 = tpu.memref_slice %arg17[%scan3A_39, %dma_wait3A] : memref<8x80xi32, #tpu.memory_space<vmem>> -> memref<1x80xi32, #tpu.memory_space<vmem>>
        %dma_wait3A_47 = tpu.memref_squeeze %dma_wait3A_46 : memref<1x80xi32, #tpu.memory_space<vmem>> -> memref<80xi32, #tpu.memory_space<vmem>>
        %dma_wait3A_48 = arith.constant 0 : i32
        %dma_wait3A_49 = arith.constant 0 : i32
        %dma_wait3A_50 = tpu.memref_slice %arg3[%dma_wait3A_48, %dma_wait3A_49] : memref<10240x144xf32, #tpu.memory_space<hbm>> -> memref<10240x144xf32, #tpu.memory_space<hbm>>
        tpu.wait_indirect_dma semaphore(%arg19 : memref<!tpu.dma_semaphore, #tpu.memory_space<semaphore_mem>>) src(%dma_wait3A_50 : memref<10240x144xf32, #tpu.memory_space<hbm>>) dst(%arg15 : memref<80x144xf32, #tpu.memory_space<vmem>>)
        %mul3A_51 = arith.constant 80 : i32
        %mul3A_52 = arith.muli %scan3A_39, %mul3A_51 : i32
        %add3A = arith.addi %mul3A_0, %mul3A_52 : i32
        "tpu.region"() ({
          %run_scoped3A_62 = tpu.sem_alloc : memref<!tpu.dma_semaphore, #tpu.memory_space<semaphore_mem>>
          %dma_start3A_63 = arith.constant 0 : i32
          %dma_start3A_64 = tpu.memref_slice %arg4[%add3A, %dma_start3A_63] : memref<10240x16xf32, #tpu.memory_space<hbm>> -> memref<80x16xf32, #tpu.memory_space<hbm>>
          %dma_start3A_65 = arith.constant 0 : i32
          %dma_start3A_66 = tpu.memref_slice %arg4[%add3A, %dma_start3A_65] : memref<10240x16xf32, #tpu.memory_space<hbm>> -> memref<80x16xf32, #tpu.memory_space<hbm>>
          tpu.enqueue_dma source(%dma_start3A_66 : memref<80x16xf32, #tpu.memory_space<hbm>>) target(%arg18 : memref<80x16xf32, #tpu.memory_space<vmem>>) target_semaphore(%run_scoped3A_62 : memref<!tpu.dma_semaphore, #tpu.memory_space<semaphore_mem>>)
          %dma_wait3A_67 = arith.constant 0 : i32
          %dma_wait3A_68 = tpu.memref_slice %arg4[%add3A, %dma_wait3A_67] : memref<10240x16xf32, #tpu.memory_space<hbm>> -> memref<80x16xf32, #tpu.memory_space<hbm>>
          %dma_wait3A_69 = arith.constant 0 : i32
          %dma_wait3A_70 = tpu.memref_slice %arg4[%add3A, %dma_wait3A_69] : memref<10240x16xf32, #tpu.memory_space<hbm>> -> memref<80x16xf32, #tpu.memory_space<hbm>>
          tpu.wait_dma2 semaphore(%run_scoped3A_62 : memref<!tpu.dma_semaphore, #tpu.memory_space<semaphore_mem>>) src(%dma_wait3A_70 : memref<80x16xf32, #tpu.memory_space<hbm>>) dst(%arg18 : memref<80x16xf32, #tpu.memory_space<vmem>>)
          tpu.yield
        }) : () -> ()
        %scan3A_53 = arith.constant 0 : i32
        %scan3A_54 = arith.constant 0 : i32
        %scan3A_55 = arith.constant 80 : i32
        %scan3A_56 = arith.addi %scan3A_54, %scan3A_55 : i32
        %scan3A_57 = arith.constant 1 : i32
        scf.for %scan3A_62 = %scan3A_54 to %scan3A_56 step %scan3A_57  : i32 {
          %get3A = arith.index_cast %scan3A_62 : i32 to index
          %get3A_63 = arith.constant 0 : index
          %get3A_64 = tpu.vector_load %arg18[%get3A, %get3A_63] {strides = array<i32>} : memref<80x16xf32, #tpu.memory_space<vmem>>, vector<1x16xf32>,
          %get3A_65 = vector.shape_cast %get3A_64 : vector<1x16xf32> to vector<16xf32>
          %scan3A_66 = arith.constant 0 : i32
          %scan3A_67 = arith.constant 0 : i32
          %scan3A_68 = arith.constant 9 : i32
          %scan3A_69 = arith.addi %scan3A_67, %scan3A_68 : i32
          %scan3A_70 = arith.constant 1 : i32
          scf.for %scan3A_72 = %scan3A_67 to %scan3A_69 step %scan3A_70  : i32 {
            %mul3A_73 = arith.constant 16 : i32
            %mul3A_74 = arith.muli %scan3A_72, %mul3A_73 : i32
            %get3A_75 = arith.index_cast %scan3A_62 : i32 to index
            %get3A_76 = arith.index_cast %mul3A_74 : i32 to index
            %get3A_77 = tpu.vector_load %arg15[%get3A_75, %get3A_76] {strides = array<i32>} : memref<80x144xf32, #tpu.memory_space<vmem>>, vector<1x16xf32>,
            %get3A_78 = vector.shape_cast %get3A_77 : vector<1x16xf32> to vector<16xf32>
            %mul3A_79 = arith.mulf %get3A_78, %get3A_65 : vector<16xf32>
            %mul3A_80 = arith.constant 16 : i32
            %mul3A_81 = arith.muli %scan3A_72, %mul3A_80 : i32
            %swap3A = arith.index_cast %scan3A_62 : i32 to index
            %swap3A_82 = arith.index_cast %mul3A_81 : i32 to index
            %swap3A_83 = tpu.vector_load %arg15[%swap3A, %swap3A_82] {strides = array<i32>} : memref<80x144xf32, #tpu.memory_space<vmem>>, vector<1x16xf32>,
            %swap3A_84 = vector.shape_cast %swap3A_83 : vector<1x16xf32> to vector<16xf32>
            %swap3A_85 = vector.shape_cast %mul3A_79 : vector<16xf32> to vector<1x16xf32>
            tpu.vector_store %arg15[%swap3A, %swap3A_82], %swap3A_85 {strides = array<i32>} : memref<80x144xf32, #tpu.memory_space<vmem>>, vector<1x16xf32>,
          }
          %scan3A_71 = arith.constant 9 : i32
        }
        %scan3A_58 = arith.constant 80 : i32
        %mul3A_59 = arith.constant 80 : i32
        %mul3A_60 = arith.muli %scan3A_39, %mul3A_59 : i32
        %add3A_61 = arith.addi %mul3A_0, %mul3A_60 : i32
        "tpu.region"() ({
          %run_scoped3A_62 = tpu.sem_alloc : memref<!tpu.dma_semaphore, #tpu.memory_space<semaphore_mem>>
          %dma_start3A_63 = arith.constant 0 : i32
          %dma_start3A_64 = tpu.memref_slice %arg9[%arg0, %add3A_61, %dma_start3A_63] : memref<2x10240x144xf32, #tpu.memory_space<hbm>> -> memref<1x80x144xf32, #tpu.memory_space<hbm>>
          %dma_start3A_65 = tpu.memref_squeeze %dma_start3A_64 : memref<1x80x144xf32, #tpu.memory_space<hbm>> -> memref<80x144xf32, #tpu.memory_space<hbm>>
          %dma_start3A_66 = arith.constant 0 : i32
          %dma_start3A_67 = tpu.memref_slice %arg9[%arg0, %add3A_61, %dma_start3A_66] : memref<2x10240x144xf32, #tpu.memory_space<hbm>> -> memref<1x80x144xf32, #tpu.memory_space<hbm>>
          %dma_start3A_68 = tpu.memref_squeeze %dma_start3A_67 : memref<1x80x144xf32, #tpu.memory_space<hbm>> -> memref<80x144xf32, #tpu.memory_space<hbm>>
          tpu.enqueue_dma source(%arg15 : memref<80x144xf32, #tpu.memory_space<vmem>>) target(%dma_start3A_68 : memref<80x144xf32, #tpu.memory_space<hbm>>) target_semaphore(%run_scoped3A_62 : memref<!tpu.dma_semaphore, #tpu.memory_space<semaphore_mem>>)
          %dma_wait3A_69 = arith.constant 0 : i32
          %dma_wait3A_70 = tpu.memref_slice %arg9[%arg0, %add3A_61, %dma_wait3A_69] : memref<2x10240x144xf32, #tpu.memory_space<hbm>> -> memref<1x80x144xf32, #tpu.memory_space<hbm>>
          %dma_wait3A_71 = tpu.memref_squeeze %dma_wait3A_70 : memref<1x80x144xf32, #tpu.memory_space<hbm>> -> memref<80x144xf32, #tpu.memory_space<hbm>>
          %dma_wait3A_72 = arith.constant 0 : i32
          %dma_wait3A_73 = tpu.memref_slice %arg9[%arg0, %add3A_61, %dma_wait3A_72] : memref<2x10240x144xf32, #tpu.memory_space<hbm>> -> memref<1x80x144xf32, #tpu.memory_space<hbm>>
          %dma_wait3A_74 = tpu.memref_squeeze %dma_wait3A_73 : memref<1x80x144xf32, #tpu.memory_space<hbm>> -> memref<80x144xf32, #tpu.memory_space<hbm>>
          tpu.wait_dma2 semaphore(%run_scoped3A_62 : memref<!tpu.dma_semaphore, #tpu.memory_space<semaphore_mem>>) src(%arg15 : memref<80x144xf32, #tpu.memory_space<vmem>>) dst(%dma_wait3A_74 : memref<80x144xf32, #tpu.memory_space<hbm>>)
          tpu.yield
        }) : () -> ()
      }
      %scan3A_38 = arith.constant 8 : i32
    } else {
    }
    %barrier3A = arith.constant 0 : index
    tpu.barrier barrier_id(%barrier3A)
    %run_scoped3A = arith.constant 0 : i32
    "tpu.region"() ({
      %run_scoped3A_33 = tpu.sem_alloc : memref<!tpu.dma_semaphore, #tpu.memory_space<semaphore_mem>>
      %dma_start3A_34 = arith.constant 0 : i32
      %dma_start3A_35 = tpu.memref_slice %arg6[%arg1, %run_scoped3A, %dma_start3A_34] : memref<16x250x80xi32, #tpu.memory_space<hbm>> -> memref<1x1x80xi32, #tpu.memory_space<hbm>>
      %dma_start3A_36 = tpu.memref_squeeze %dma_start3A_35 : memref<1x1x80xi32, #tpu.memory_space<hbm>> -> memref<80xi32, #tpu.memory_space<hbm>>
      %dma_start3A_37 = arith.constant 0 : i32
      %dma_start3A_38 = tpu.memref_slice %arg6[%arg1, %run_scoped3A, %dma_start3A_37] : memref<16x250x80xi32, #tpu.memory_space<hbm>> -> memref<1x1x80xi32, #tpu.memory_space<hbm>>
      %dma_start3A_39 = tpu.memref_squeeze %dma_start3A_38 : memref<1x1x80xi32, #tpu.memory_space<hbm>> -> memref<80xi32, #tpu.memory_space<hbm>>
      tpu.enqueue_dma source(%dma_start3A_39 : memref<80xi32, #tpu.memory_space<hbm>>) target(%arg11 : memref<80xi32, #tpu.memory_space<vmem>>) target_semaphore(%run_scoped3A_33 : memref<!tpu.dma_semaphore, #tpu.memory_space<semaphore_mem>>)
      %dma_wait3A = arith.constant 0 : i32
      %dma_wait3A_40 = tpu.memref_slice %arg6[%arg1, %run_scoped3A, %dma_wait3A] : memref<16x250x80xi32, #tpu.memory_space<hbm>> -> memref<1x1x80xi32, #tpu.memory_space<hbm>>
      %dma_wait3A_41 = tpu.memref_squeeze %dma_wait3A_40 : memref<1x1x80xi32, #tpu.memory_space<hbm>> -> memref<80xi32, #tpu.memory_space<hbm>>
      %dma_wait3A_42 = arith.constant 0 : i32
      %dma_wait3A_43 = tpu.memref_slice %arg6[%arg1, %run_scoped3A, %dma_wait3A_42] : memref<16x250x80xi32, #tpu.memory_space<hbm>> -> memref<1x1x80xi32, #tpu.memory_space<hbm>>
      %dma_wait3A_44 = tpu.memref_squeeze %dma_wait3A_43 : memref<1x1x80xi32, #tpu.memory_space<hbm>> -> memref<80xi32, #tpu.memory_space<hbm>>
      tpu.wait_dma2 semaphore(%run_scoped3A_33 : memref<!tpu.dma_semaphore, #tpu.memory_space<semaphore_mem>>) src(%dma_wait3A_44 : memref<80xi32, #tpu.memory_space<hbm>>) dst(%arg11 : memref<80xi32, #tpu.memory_space<vmem>>)
      tpu.yield
    }) : () -> ()
    %run_scoped3A_19 = arith.constant 0 : i32
    "tpu.region"() ({
      %run_scoped3A_33 = tpu.sem_alloc : memref<!tpu.dma_semaphore, #tpu.memory_space<semaphore_mem>>
      %dma_start3A_34 = arith.constant 0 : i32
      %dma_start3A_35 = tpu.memref_slice %arg7[%arg1, %run_scoped3A_19, %dma_start3A_34] : memref<16x250x80xi32, #tpu.memory_space<hbm>> -> memref<1x1x80xi32, #tpu.memory_space<hbm>>
      %dma_start3A_36 = tpu.memref_squeeze %dma_start3A_35 : memref<1x1x80xi32, #tpu.memory_space<hbm>> -> memref<80xi32, #tpu.memory_space<hbm>>
      %dma_start3A_37 = arith.constant 0 : i32
      %dma_start3A_38 = tpu.memref_slice %arg7[%arg1, %run_scoped3A_19, %dma_start3A_37] : memref<16x250x80xi32, #tpu.memory_space<hbm>> -> memref<1x1x80xi32, #tpu.memory_space<hbm>>
      %dma_start3A_39 = tpu.memref_squeeze %dma_start3A_38 : memref<1x1x80xi32, #tpu.memory_space<hbm>> -> memref<80xi32, #tpu.memory_space<hbm>>
      tpu.enqueue_dma source(%dma_start3A_39 : memref<80xi32, #tpu.memory_space<hbm>>) target(%arg12 : memref<80xi32, #tpu.memory_space<vmem>>) target_semaphore(%run_scoped3A_33 : memref<!tpu.dma_semaphore, #tpu.memory_space<semaphore_mem>>)
      %dma_wait3A = arith.constant 0 : i32
      %dma_wait3A_40 = tpu.memref_slice %arg7[%arg1, %run_scoped3A_19, %dma_wait3A] : memref<16x250x80xi32, #tpu.memory_space<hbm>> -> memref<1x1x80xi32, #tpu.memory_space<hbm>>
      %dma_wait3A_41 = tpu.memref_squeeze %dma_wait3A_40 : memref<1x1x80xi32, #tpu.memory_space<hbm>> -> memref<80xi32, #tpu.memory_space<hbm>>
      %dma_wait3A_42 = arith.constant 0 : i32
      %dma_wait3A_43 = tpu.memref_slice %arg7[%arg1, %run_scoped3A_19, %dma_wait3A_42] : memref<16x250x80xi32, #tpu.memory_space<hbm>> -> memref<1x1x80xi32, #tpu.memory_space<hbm>>
      %dma_wait3A_44 = tpu.memref_squeeze %dma_wait3A_43 : memref<1x1x80xi32, #tpu.memory_space<hbm>> -> memref<80xi32, #tpu.memory_space<hbm>>
      tpu.wait_dma2 semaphore(%run_scoped3A_33 : memref<!tpu.dma_semaphore, #tpu.memory_space<semaphore_mem>>) src(%dma_wait3A_44 : memref<80xi32, #tpu.memory_space<hbm>>) dst(%arg12 : memref<80xi32, #tpu.memory_space<vmem>>)
      tpu.yield
    }) : () -> ()
    %dma_start3A = arith.constant 0 : i32
    %dma_start3A_20 = arith.constant 0 : i32
    %dma_start3A_21 = tpu.memref_slice %arg9[%arg0, %dma_start3A, %dma_start3A_20] : memref<2x10240x144xf32, #tpu.memory_space<hbm>> -> memref<1x10240x144xf32, #tpu.memory_space<hbm>>
    %dma_start3A_22 = tpu.memref_squeeze %dma_start3A_21 : memref<1x10240x144xf32, #tpu.memory_space<hbm>> -> memref<10240x144xf32, #tpu.memory_space<hbm>>
    %dma_start3A_23 = arith.constant 0 : i32
    %dma_start3A_24 = arith.constant 0 : i32
    %dma_start3A_25 = tpu.memref_slice %dma_start3A_22[%dma_start3A_23, %dma_start3A_24] : memref<10240x144xf32, #tpu.memory_space<hbm>> -> memref<10240x144xf32, #tpu.memory_space<hbm>>
    tpu.enqueue_indirect_dma source(%dma_start3A_25 : memref<10240x144xf32, #tpu.memory_space<hbm>>) target(%arg15 : memref<80x144xf32, #tpu.memory_space<vmem>>) offsets(%arg11 : memref<80xi32, #tpu.memory_space<vmem>>) semaphore(%arg19 : memref<!tpu.dma_semaphore, #tpu.memory_space<semaphore_mem>>)
    %scan3A_26 = arith.constant 0 : i32
    %scan3A_27 = arith.constant 0 : i32
    %scan3A_28 = arith.constant 125 : i32
    %scan3A_29 = arith.addi %scan3A_27, %scan3A_28 : i32
    %scan3A_30 = arith.constant 1 : i32
    scf.for %scan3A_33 = %scan3A_27 to %scan3A_29 step %scan3A_30  : i32 {
      %mul3A_34 = arith.constant 2 : i32
      %mul3A_35 = arith.muli %mul3A_34, %scan3A_33 : i32
      %add3A = arith.constant 1 : i32
      %add3A_36 = arith.addi %mul3A_35, %add3A : i32
      "tpu.region"() ({
        %run_scoped3A_61 = tpu.sem_alloc : memref<!tpu.dma_semaphore, #tpu.memory_space<semaphore_mem>>
        %dma_start3A_62 = arith.constant 0 : i32
        %dma_start3A_63 = tpu.memref_slice %arg6[%arg1, %add3A_36, %dma_start3A_62] : memref<16x250x80xi32, #tpu.memory_space<hbm>> -> memref<1x1x80xi32, #tpu.memory_space<hbm>>
        %dma_start3A_64 = tpu.memref_squeeze %dma_start3A_63 : memref<1x1x80xi32, #tpu.memory_space<hbm>> -> memref<80xi32, #tpu.memory_space<hbm>>
        %dma_start3A_65 = arith.constant 0 : i32
        %dma_start3A_66 = tpu.memref_slice %arg6[%arg1, %add3A_36, %dma_start3A_65] : memref<16x250x80xi32, #tpu.memory_space<hbm>> -> memref<1x1x80xi32, #tpu.memory_space<hbm>>
        %dma_start3A_67 = tpu.memref_squeeze %dma_start3A_66 : memref<1x1x80xi32, #tpu.memory_space<hbm>> -> memref<80xi32, #tpu.memory_space<hbm>>
        tpu.enqueue_dma source(%dma_start3A_67 : memref<80xi32, #tpu.memory_space<hbm>>) target(%arg13 : memref<80xi32, #tpu.memory_space<vmem>>) target_semaphore(%run_scoped3A_61 : memref<!tpu.dma_semaphore, #tpu.memory_space<semaphore_mem>>)
        %dma_wait3A_68 = arith.constant 0 : i32
        %dma_wait3A_69 = tpu.memref_slice %arg6[%arg1, %add3A_36, %dma_wait3A_68] : memref<16x250x80xi32, #tpu.memory_space<hbm>> -> memref<1x1x80xi32, #tpu.memory_space<hbm>>
        %dma_wait3A_70 = tpu.memref_squeeze %dma_wait3A_69 : memref<1x1x80xi32, #tpu.memory_space<hbm>> -> memref<80xi32, #tpu.memory_space<hbm>>
        %dma_wait3A_71 = arith.constant 0 : i32
        %dma_wait3A_72 = tpu.memref_slice %arg6[%arg1, %add3A_36, %dma_wait3A_71] : memref<16x250x80xi32, #tpu.memory_space<hbm>> -> memref<1x1x80xi32, #tpu.memory_space<hbm>>
        %dma_wait3A_73 = tpu.memref_squeeze %dma_wait3A_72 : memref<1x1x80xi32, #tpu.memory_space<hbm>> -> memref<80xi32, #tpu.memory_space<hbm>>
        tpu.wait_dma2 semaphore(%run_scoped3A_61 : memref<!tpu.dma_semaphore, #tpu.memory_space<semaphore_mem>>) src(%dma_wait3A_73 : memref<80xi32, #tpu.memory_space<hbm>>) dst(%arg13 : memref<80xi32, #tpu.memory_space<vmem>>)
        tpu.yield
      }) : () -> ()
      "tpu.region"() ({
        %run_scoped3A_61 = tpu.sem_alloc : memref<!tpu.dma_semaphore, #tpu.memory_space<semaphore_mem>>
        %dma_start3A_62 = arith.constant 0 : i32
        %dma_start3A_63 = tpu.memref_slice %arg7[%arg1, %add3A_36, %dma_start3A_62] : memref<16x250x80xi32, #tpu.memory_space<hbm>> -> memref<1x1x80xi32, #tpu.memory_space<hbm>>
        %dma_start3A_64 = tpu.memref_squeeze %dma_start3A_63 : memref<1x1x80xi32, #tpu.memory_space<hbm>> -> memref<80xi32, #tpu.memory_space<hbm>>
        %dma_start3A_65 = arith.constant 0 : i32
        %dma_start3A_66 = tpu.memref_slice %arg7[%arg1, %add3A_36, %dma_start3A_65] : memref<16x250x80xi32, #tpu.memory_space<hbm>> -> memref<1x1x80xi32, #tpu.memory_space<hbm>>
        %dma_start3A_67 = tpu.memref_squeeze %dma_start3A_66 : memref<1x1x80xi32, #tpu.memory_space<hbm>> -> memref<80xi32, #tpu.memory_space<hbm>>
        tpu.enqueue_dma source(%dma_start3A_67 : memref<80xi32, #tpu.memory_space<hbm>>) target(%arg14 : memref<80xi32, #tpu.memory_space<vmem>>) target_semaphore(%run_scoped3A_61 : memref<!tpu.dma_semaphore, #tpu.memory_space<semaphore_mem>>)
        %dma_wait3A_68 = arith.constant 0 : i32
        %dma_wait3A_69 = tpu.memref_slice %arg7[%arg1, %add3A_36, %dma_wait3A_68] : memref<16x250x80xi32, #tpu.memory_space<hbm>> -> memref<1x1x80xi32, #tpu.memory_space<hbm>>
        %dma_wait3A_70 = tpu.memref_squeeze %dma_wait3A_69 : memref<1x1x80xi32, #tpu.memory_space<hbm>> -> memref<80xi32, #tpu.memory_space<hbm>>
        %dma_wait3A_71 = arith.constant 0 : i32
        %dma_wait3A_72 = tpu.memref_slice %arg7[%arg1, %add3A_36, %dma_wait3A_71] : memref<16x250x80xi32, #tpu.memory_space<hbm>> -> memref<1x1x80xi32, #tpu.memory_space<hbm>>
        %dma_wait3A_73 = tpu.memref_squeeze %dma_wait3A_72 : memref<1x1x80xi32, #tpu.memory_space<hbm>> -> memref<80xi32, #tpu.memory_space<hbm>>
        tpu.wait_dma2 semaphore(%run_scoped3A_61 : memref<!tpu.dma_semaphore, #tpu.memory_space<semaphore_mem>>) src(%dma_wait3A_73 : memref<80xi32, #tpu.memory_space<hbm>>) dst(%arg14 : memref<80xi32, #tpu.memory_space<vmem>>)
        tpu.yield
      }) : () -> ()
      %dma_start3A_37 = arith.constant 0 : i32
      %dma_start3A_38 = arith.constant 0 : i32
      %dma_start3A_39 = tpu.memref_slice %arg9[%arg0, %dma_start3A_37, %dma_start3A_38] : memref<2x10240x144xf32, #tpu.memory_space<hbm>> -> memref<1x10240x144xf32, #tpu.memory_space<hbm>>
      %dma_start3A_40 = tpu.memref_squeeze %dma_start3A_39 : memref<1x10240x144xf32, #tpu.memory_space<hbm>> -> memref<10240x144xf32, #tpu.memory_space<hbm>>
      %dma_start3A_41 = arith.constant 0 : i32
      %dma_start3A_42 = arith.constant 0 : i32
      %dma_start3A_43 = tpu.memref_slice %dma_start3A_40[%dma_start3A_41, %dma_start3A_42] : memref<10240x144xf32, #tpu.memory_space<hbm>> -> memref<10240x144xf32, #tpu.memory_space<hbm>>
      tpu.enqueue_indirect_dma source(%dma_start3A_43 : memref<10240x144xf32, #tpu.memory_space<hbm>>) target(%arg16 : memref<80x144xf32, #tpu.memory_space<vmem>>) offsets(%arg13 : memref<80xi32, #tpu.memory_space<vmem>>) semaphore(%arg20 : memref<!tpu.dma_semaphore, #tpu.memory_space<semaphore_mem>>)
      %dma_wait3A = arith.constant 0 : i32
      %dma_wait3A_44 = arith.constant 0 : i32
      %dma_wait3A_45 = tpu.memref_slice %arg9[%arg0, %dma_wait3A, %dma_wait3A_44] : memref<2x10240x144xf32, #tpu.memory_space<hbm>> -> memref<1x10240x144xf32, #tpu.memory_space<hbm>>
      %dma_wait3A_46 = tpu.memref_squeeze %dma_wait3A_45 : memref<1x10240x144xf32, #tpu.memory_space<hbm>> -> memref<10240x144xf32, #tpu.memory_space<hbm>>
      %dma_wait3A_47 = arith.constant 0 : i32
      %dma_wait3A_48 = arith.constant 0 : i32
      %dma_wait3A_49 = tpu.memref_slice %dma_wait3A_46[%dma_wait3A_47, %dma_wait3A_48] : memref<10240x144xf32, #tpu.memory_space<hbm>> -> memref<10240x144xf32, #tpu.memory_space<hbm>>
      tpu.wait_indirect_dma semaphore(%arg19 : memref<!tpu.dma_semaphore, #tpu.memory_space<semaphore_mem>>) src(%dma_wait3A_49 : memref<10240x144xf32, #tpu.memory_space<hbm>>) dst(%arg15 : memref<80x144xf32, #tpu.memory_space<vmem>>)
      "tpu.region"() ({
        %run_scoped3A_61 = tpu.sem_alloc : memref<!tpu.dma_semaphore, #tpu.memory_space<semaphore_mem>>
        %dma_start3A_62 = arith.constant 0 : i32
        %dma_start3A_63 = arith.constant 0 : i32
        %dma_start3A_64 = tpu.memref_slice %arg10[%dma_start3A_62, %dma_start3A_63] : memref<10240x144xf32, #tpu.memory_space<vmem_shared>> -> memref<10240x144xf32, #tpu.memory_space<vmem_shared>>
        tpu.enqueue_indirect_dma source(%arg15 : memref<80x144xf32, #tpu.memory_space<vmem>>) target(%dma_start3A_64 : memref<10240x144xf32, #tpu.memory_space<vmem_shared>>) offsets(%arg12 : memref<80xi32, #tpu.memory_space<vmem>>) semaphore(%run_scoped3A_61 : memref<!tpu.dma_semaphore, #tpu.memory_space<semaphore_mem>>) {add = true}
        %dma_wait3A_65 = arith.constant 0 : i32
        %dma_wait3A_66 = arith.constant 0 : i32
        %dma_wait3A_67 = tpu.memref_slice %arg10[%dma_wait3A_65, %dma_wait3A_66] : memref<10240x144xf32, #tpu.memory_space<vmem_shared>> -> memref<10240x144xf32, #tpu.memory_space<vmem_shared>>
        tpu.wait_indirect_dma semaphore(%run_scoped3A_61 : memref<!tpu.dma_semaphore, #tpu.memory_space<semaphore_mem>>) src(%arg15 : memref<80x144xf32, #tpu.memory_space<vmem>>) dst(%dma_wait3A_67 : memref<10240x144xf32, #tpu.memory_space<vmem_shared>>)
        tpu.yield
      }) : () -> ()
      %lt3A = arith.constant 124 : i32
      %lt3A_50 = arith.cmpi slt, %scan3A_33, %lt3A : i32
      %convert_element_type3A_51 = arith.extui %lt3A_50 : i1 to i32
      %cond3A_52 = arith.constant 0 : i32
      %cond3A_53 = arith.cmpi ne, %convert_element_type3A_51, %cond3A_52 : i32
      scf.if %cond3A_53 {
        %add3A_61 = arith.constant 2 : i32
        %add3A_62 = arith.addi %mul3A_35, %add3A_61 : i32
        "tpu.region"() ({
          %run_scoped3A_70 = tpu.sem_alloc : memref<!tpu.dma_semaphore, #tpu.memory_space<semaphore_mem>>
          %dma_start3A_71 = arith.constant 0 : i32
          %dma_start3A_72 = tpu.memref_slice %arg6[%arg1, %add3A_62, %dma_start3A_71] : memref<16x250x80xi32, #tpu.memory_space<hbm>> -> memref<1x1x80xi32, #tpu.memory_space<hbm>>
          %dma_start3A_73 = tpu.memref_squeeze %dma_start3A_72 : memref<1x1x80xi32, #tpu.memory_space<hbm>> -> memref<80xi32, #tpu.memory_space<hbm>>
          %dma_start3A_74 = arith.constant 0 : i32
          %dma_start3A_75 = tpu.memref_slice %arg6[%arg1, %add3A_62, %dma_start3A_74] : memref<16x250x80xi32, #tpu.memory_space<hbm>> -> memref<1x1x80xi32, #tpu.memory_space<hbm>>
          %dma_start3A_76 = tpu.memref_squeeze %dma_start3A_75 : memref<1x1x80xi32, #tpu.memory_space<hbm>> -> memref<80xi32, #tpu.memory_space<hbm>>
          tpu.enqueue_dma source(%dma_start3A_76 : memref<80xi32, #tpu.memory_space<hbm>>) target(%arg11 : memref<80xi32, #tpu.memory_space<vmem>>) target_semaphore(%run_scoped3A_70 : memref<!tpu.dma_semaphore, #tpu.memory_space<semaphore_mem>>)
          %dma_wait3A_77 = arith.constant 0 : i32
          %dma_wait3A_78 = tpu.memref_slice %arg6[%arg1, %add3A_62, %dma_wait3A_77] : memref<16x250x80xi32, #tpu.memory_space<hbm>> -> memref<1x1x80xi32, #tpu.memory_space<hbm>>
          %dma_wait3A_79 = tpu.memref_squeeze %dma_wait3A_78 : memref<1x1x80xi32, #tpu.memory_space<hbm>> -> memref<80xi32, #tpu.memory_space<hbm>>
          %dma_wait3A_80 = arith.constant 0 : i32
          %dma_wait3A_81 = tpu.memref_slice %arg6[%arg1, %add3A_62, %dma_wait3A_80] : memref<16x250x80xi32, #tpu.memory_space<hbm>> -> memref<1x1x80xi32, #tpu.memory_space<hbm>>
          %dma_wait3A_82 = tpu.memref_squeeze %dma_wait3A_81 : memref<1x1x80xi32, #tpu.memory_space<hbm>> -> memref<80xi32, #tpu.memory_space<hbm>>
          tpu.wait_dma2 semaphore(%run_scoped3A_70 : memref<!tpu.dma_semaphore, #tpu.memory_space<semaphore_mem>>) src(%dma_wait3A_82 : memref<80xi32, #tpu.memory_space<hbm>>) dst(%arg11 : memref<80xi32, #tpu.memory_space<vmem>>)
          tpu.yield
        }) : () -> ()
        "tpu.region"() ({
          %run_scoped3A_70 = tpu.sem_alloc : memref<!tpu.dma_semaphore, #tpu.memory_space<semaphore_mem>>
          %dma_start3A_71 = arith.constant 0 : i32
          %dma_start3A_72 = tpu.memref_slice %arg7[%arg1, %add3A_62, %dma_start3A_71] : memref<16x250x80xi32, #tpu.memory_space<hbm>> -> memref<1x1x80xi32, #tpu.memory_space<hbm>>
          %dma_start3A_73 = tpu.memref_squeeze %dma_start3A_72 : memref<1x1x80xi32, #tpu.memory_space<hbm>> -> memref<80xi32, #tpu.memory_space<hbm>>
          %dma_start3A_74 = arith.constant 0 : i32
          %dma_start3A_75 = tpu.memref_slice %arg7[%arg1, %add3A_62, %dma_start3A_74] : memref<16x250x80xi32, #tpu.memory_space<hbm>> -> memref<1x1x80xi32, #tpu.memory_space<hbm>>
          %dma_start3A_76 = tpu.memref_squeeze %dma_start3A_75 : memref<1x1x80xi32, #tpu.memory_space<hbm>> -> memref<80xi32, #tpu.memory_space<hbm>>
          tpu.enqueue_dma source(%dma_start3A_76 : memref<80xi32, #tpu.memory_space<hbm>>) target(%arg12 : memref<80xi32, #tpu.memory_space<vmem>>) target_semaphore(%run_scoped3A_70 : memref<!tpu.dma_semaphore, #tpu.memory_space<semaphore_mem>>)
          %dma_wait3A_77 = arith.constant 0 : i32
          %dma_wait3A_78 = tpu.memref_slice %arg7[%arg1, %add3A_62, %dma_wait3A_77] : memref<16x250x80xi32, #tpu.memory_space<hbm>> -> memref<1x1x80xi32, #tpu.memory_space<hbm>>
          %dma_wait3A_79 = tpu.memref_squeeze %dma_wait3A_78 : memref<1x1x80xi32, #tpu.memory_space<hbm>> -> memref<80xi32, #tpu.memory_space<hbm>>
          %dma_wait3A_80 = arith.constant 0 : i32
          %dma_wait3A_81 = tpu.memref_slice %arg7[%arg1, %add3A_62, %dma_wait3A_80] : memref<16x250x80xi32, #tpu.memory_space<hbm>> -> memref<1x1x80xi32, #tpu.memory_space<hbm>>
          %dma_wait3A_82 = tpu.memref_squeeze %dma_wait3A_81 : memref<1x1x80xi32, #tpu.memory_space<hbm>> -> memref<80xi32, #tpu.memory_space<hbm>>
          tpu.wait_dma2 semaphore(%run_scoped3A_70 : memref<!tpu.dma_semaphore, #tpu.memory_space<semaphore_mem>>) src(%dma_wait3A_82 : memref<80xi32, #tpu.memory_space<hbm>>) dst(%arg12 : memref<80xi32, #tpu.memory_space<vmem>>)
          tpu.yield
        }) : () -> ()
        %dma_start3A_63 = arith.constant 0 : i32
        %dma_start3A_64 = arith.constant 0 : i32
        %dma_start3A_65 = tpu.memref_slice %arg9[%arg0, %dma_start3A_63, %dma_start3A_64] : memref<2x10240x144xf32, #tpu.memory_space<hbm>> -> memref<1x10240x144xf32, #tpu.memory_space<hbm>>
        %dma_start3A_66 = tpu.memref_squeeze %dma_start3A_65 : memref<1x10240x144xf32, #tpu.memory_space<hbm>> -> memref<10240x144xf32, #tpu.memory_space<hbm>>
        %dma_start3A_67 = arith.constant 0 : i32
        %dma_start3A_68 = arith.constant 0 : i32
        %dma_start3A_69 = tpu.memref_slice %dma_start3A_66[%dma_start3A_67, %dma_start3A_68] : memref<10240x144xf32, #tpu.memory_space<hbm>> -> memref<10240x144xf32, #tpu.memory_space<hbm>>
        tpu.enqueue_indirect_dma source(%dma_start3A_69 : memref<10240x144xf32, #tpu.memory_space<hbm>>) target(%arg15 : memref<80x144xf32, #tpu.memory_space<vmem>>) offsets(%arg11 : memref<80xi32, #tpu.memory_space<vmem>>) semaphore(%arg19 : memref<!tpu.dma_semaphore, #tpu.memory_space<semaphore_mem>>)
      } else {
      }
      %dma_wait3A_54 = arith.constant 0 : i32
      %dma_wait3A_55 = arith.constant 0 : i32
      %dma_wait3A_56 = tpu.memref_slice %arg9[%arg0, %dma_wait3A_54, %dma_wait3A_55] : memref<2x10240x144xf32, #tpu.memory_space<hbm>> -> memref<1x10240x144xf32, #tpu.memory_space<hbm>>
      %dma_wait3A_57 = tpu.memref_squeeze %dma_wait3A_56 : memref<1x10240x144xf32, #tpu.memory_space<hbm>> -> memref<10240x144xf32, #tpu.memory_space<hbm>>
      %dma_wait3A_58 = arith.constant 0 : i32
      %dma_wait3A_59 = arith.constant 0 : i32
      %dma_wait3A_60 = tpu.memref_slice %dma_wait3A_57[%dma_wait3A_58, %dma_wait3A_59] : memref<10240x144xf32, #tpu.memory_space<hbm>> -> memref<10240x144xf32, #tpu.memory_space<hbm>>
      tpu.wait_indirect_dma semaphore(%arg20 : memref<!tpu.dma_semaphore, #tpu.memory_space<semaphore_mem>>) src(%dma_wait3A_60 : memref<10240x144xf32, #tpu.memory_space<hbm>>) dst(%arg16 : memref<80x144xf32, #tpu.memory_space<vmem>>)
      "tpu.region"() ({
        %run_scoped3A_61 = tpu.sem_alloc : memref<!tpu.dma_semaphore, #tpu.memory_space<semaphore_mem>>
        %dma_start3A_62 = arith.constant 0 : i32
        %dma_start3A_63 = arith.constant 0 : i32
        %dma_start3A_64 = tpu.memref_slice %arg10[%dma_start3A_62, %dma_start3A_63] : memref<10240x144xf32, #tpu.memory_space<vmem_shared>> -> memref<10240x144xf32, #tpu.memory_space<vmem_shared>>
        tpu.enqueue_indirect_dma source(%arg16 : memref<80x144xf32, #tpu.memory_space<vmem>>) target(%dma_start3A_64 : memref<10240x144xf32, #tpu.memory_space<vmem_shared>>) offsets(%arg14 : memref<80xi32, #tpu.memory_space<vmem>>) semaphore(%run_scoped3A_61 : memref<!tpu.dma_semaphore, #tpu.memory_space<semaphore_mem>>) {add = true}
        %dma_wait3A_65 = arith.constant 0 : i32
        %dma_wait3A_66 = arith.constant 0 : i32
        %dma_wait3A_67 = tpu.memref_slice %arg10[%dma_wait3A_65, %dma_wait3A_66] : memref<10240x144xf32, #tpu.memory_space<vmem_shared>> -> memref<10240x144xf32, #tpu.memory_space<vmem_shared>>
        tpu.wait_indirect_dma semaphore(%run_scoped3A_61 : memref<!tpu.dma_semaphore, #tpu.memory_space<semaphore_mem>>) src(%arg16 : memref<80x144xf32, #tpu.memory_space<vmem>>) dst(%dma_wait3A_67 : memref<10240x144xf32, #tpu.memory_space<vmem_shared>>)
        tpu.yield
      }) : () -> ()
    }
    %scan3A_31 = arith.constant 125 : i32
    %barrier3A_32 = arith.constant 0 : index
    tpu.barrier barrier_id(%barrier3A_32)
    "tpu.region"() ({
      %run_scoped3A_33 = tpu.sem_alloc : memref<!tpu.dma_semaphore, #tpu.memory_space<semaphore_mem>>
      %dma_start3A_34 = arith.constant 0 : i32
      %dma_start3A_35 = tpu.memref_slice %arg8[%arg0, %mul3A_0, %dma_start3A_34] : memref<2x10240x144xf32, #tpu.memory_space<hbm>> -> memref<1x640x144xf32, #tpu.memory_space<hbm>>
      %dma_start3A_36 = tpu.memref_squeeze %dma_start3A_35 : memref<1x640x144xf32, #tpu.memory_space<hbm>> -> memref<640x144xf32, #tpu.memory_space<hbm>>
      %dma_start3A_37 = arith.constant 0 : i32
      %dma_start3A_38 = tpu.memref_slice %arg10[%mul3A_0, %dma_start3A_37] : memref<10240x144xf32, #tpu.memory_space<vmem_shared>> -> memref<640x144xf32, #tpu.memory_space<vmem_shared>>
      tpu.enqueue_dma source(%dma_start3A_38 : memref<640x144xf32, #tpu.memory_space<vmem_shared>>) target(%dma_start3A_36 : memref<640x144xf32, #tpu.memory_space<hbm>>) target_semaphore(%run_scoped3A_33 : memref<!tpu.dma_semaphore, #tpu.memory_space<semaphore_mem>>)
      %dma_wait3A = arith.constant 0 : i32
      %dma_wait3A_39 = tpu.memref_slice %arg8[%arg0, %mul3A_0, %dma_wait3A] : memref<2x10240x144xf32, #tpu.memory_space<hbm>> -> memref<1x640x144xf32, #tpu.memory_space<hbm>>
      %dma_wait3A_40 = tpu.memref_squeeze %dma_wait3A_39 : memref<1x640x144xf32, #tpu.memory_space<hbm>> -> memref<640x144xf32, #tpu.memory_space<hbm>>
      %dma_wait3A_41 = arith.constant 0 : i32
      %dma_wait3A_42 = tpu.memref_slice %arg10[%mul3A_0, %dma_wait3A_41] : memref<10240x144xf32, #tpu.memory_space<vmem_shared>> -> memref<640x144xf32, #tpu.memory_space<vmem_shared>>
      tpu.wait_dma2 semaphore(%run_scoped3A_33 : memref<!tpu.dma_semaphore, #tpu.memory_space<semaphore_mem>>) src(%dma_wait3A_42 : memref<640x144xf32, #tpu.memory_space<vmem_shared>>) dst(%dma_wait3A_40 : memref<640x144xf32, #tpu.memory_space<hbm>>)
      tpu.yield
    }) : () -> ()
    return
  }
}

#map = affine_map<(d0, d1) -> (0, 0, 0)>
module attributes {stable_mosaic.version = 14 : i64} {
  func.func @_deg_kernel(%arg0: i32, %arg1: i32, %arg2: memref<32x125x80xi32, #tpu.memory_space<hbm>>, %arg3: memref<2x10240x16xf32, #tpu.memory_space<hbm>>, %arg4: memref<10240x16xf32, #tpu.memory_space<vmem_shared>>, %arg5: memref<125x80xi32, #tpu.memory_space<vmem>>, %arg6: memref<80x16xf32, #tpu.memory_space<vmem>>, %arg7: memref<80x16xf32, #tpu.memory_space<vmem>>) attributes {dimension_semantics = [#tpu.dimension_semantics<core_parallel>, #tpu.dimension_semantics<subcore_parallel>], iteration_bounds = array<i64: 2, 16>, scalar_prefetch = 0 : i64, scratch_operands = 4 : i64, tpu.core_type = #tpu.core_type<sc_vector_subcore>, window_params = [{transform_indices = #map}, {transform_indices = #map}]} {
    %mul3A = arith.constant 16 : i32
    %mul3A_0 = arith.muli %arg0, %mul3A : i32
    %add3A = arith.addi %mul3A_0, %arg1 : i32
    %scan3A = arith.constant 0 : i32
    %scan3A_1 = arith.constant 0 : i32
    %scan3A_2 = arith.constant 80 : i32
    %scan3A_3 = arith.addi %scan3A_1, %scan3A_2 : i32
    %scan3A_4 = arith.constant 1 : i32
    scf.for %scan3A_23 = %scan3A_1 to %scan3A_3 step %scan3A_4  : i32 {
      %broadcast_in_dim3A = arith.constant 1.000000e+00 : f32
      %broadcast_in_dim3A_24 = vector.broadcast %broadcast_in_dim3A : f32 to vector<16xf32>
      %swap3A = arith.index_cast %scan3A_23 : i32 to index
      %swap3A_25 = arith.constant 0 : index
      %swap3A_26 = tpu.vector_load %arg6[%swap3A, %swap3A_25] {strides = array<i32>} : memref<80x16xf32, #tpu.memory_space<vmem>>, vector<1x16xf32>,
      %swap3A_27 = vector.shape_cast %swap3A_26 : vector<1x16xf32> to vector<16xf32>
      %swap3A_28 = vector.shape_cast %broadcast_in_dim3A_24 : vector<16xf32> to vector<1x16xf32>
      tpu.vector_store %arg6[%swap3A, %swap3A_25], %swap3A_28 {strides = array<i32>} : memref<80x16xf32, #tpu.memory_space<vmem>>, vector<1x16xf32>,
      %broadcast_in_dim3A_29 = arith.constant 0.000000e+00 : f32
      %broadcast_in_dim3A_30 = vector.broadcast %broadcast_in_dim3A_29 : f32 to vector<16xf32>
      %swap3A_31 = arith.index_cast %scan3A_23 : i32 to index
      %swap3A_32 = arith.constant 0 : index
      %swap3A_33 = tpu.vector_load %arg7[%swap3A_31, %swap3A_32] {strides = array<i32>} : memref<80x16xf32, #tpu.memory_space<vmem>>, vector<1x16xf32>,
      %swap3A_34 = vector.shape_cast %swap3A_33 : vector<1x16xf32> to vector<16xf32>
      %swap3A_35 = vector.shape_cast %broadcast_in_dim3A_30 : vector<16xf32> to vector<1x16xf32>
      tpu.vector_store %arg7[%swap3A_31, %swap3A_32], %swap3A_35 {strides = array<i32>} : memref<80x16xf32, #tpu.memory_space<vmem>>, vector<1x16xf32>,
    }
    %scan3A_5 = arith.constant 80 : i32
    %scan3A_6 = arith.constant 0 : i32
    %scan3A_7 = arith.constant 0 : i32
    %scan3A_8 = arith.constant 8 : i32
    %scan3A_9 = arith.addi %scan3A_7, %scan3A_8 : i32
    %scan3A_10 = arith.constant 1 : i32
    scf.for %scan3A_23 = %scan3A_7 to %scan3A_9 step %scan3A_10  : i32 {
      %mul3A_24 = arith.constant 640 : i32
      %mul3A_25 = arith.muli %arg1, %mul3A_24 : i32
      %mul3A_26 = arith.constant 80 : i32
      %mul3A_27 = arith.muli %scan3A_23, %mul3A_26 : i32
      %add3A_28 = arith.addi %mul3A_25, %mul3A_27 : i32
      "tpu.region"() ({
        %run_scoped3A = tpu.sem_alloc : memref<!tpu.dma_semaphore, #tpu.memory_space<semaphore_mem>>
        %dma_start3A = arith.constant 0 : i32
        %dma_start3A_29 = tpu.memref_slice %arg4[%add3A_28, %dma_start3A] : memref<10240x16xf32, #tpu.memory_space<vmem_shared>> -> memref<80x16xf32, #tpu.memory_space<vmem_shared>>
        %dma_start3A_30 = arith.constant 0 : i32
        %dma_start3A_31 = tpu.memref_slice %arg4[%add3A_28, %dma_start3A_30] : memref<10240x16xf32, #tpu.memory_space<vmem_shared>> -> memref<80x16xf32, #tpu.memory_space<vmem_shared>>
        tpu.enqueue_dma source(%arg7 : memref<80x16xf32, #tpu.memory_space<vmem>>) target(%dma_start3A_31 : memref<80x16xf32, #tpu.memory_space<vmem_shared>>) target_semaphore(%run_scoped3A : memref<!tpu.dma_semaphore, #tpu.memory_space<semaphore_mem>>)
        %dma_wait3A = arith.constant 0 : i32
        %dma_wait3A_32 = tpu.memref_slice %arg4[%add3A_28, %dma_wait3A] : memref<10240x16xf32, #tpu.memory_space<vmem_shared>> -> memref<80x16xf32, #tpu.memory_space<vmem_shared>>
        %dma_wait3A_33 = arith.constant 0 : i32
        %dma_wait3A_34 = tpu.memref_slice %arg4[%add3A_28, %dma_wait3A_33] : memref<10240x16xf32, #tpu.memory_space<vmem_shared>> -> memref<80x16xf32, #tpu.memory_space<vmem_shared>>
        tpu.wait_dma2 semaphore(%run_scoped3A : memref<!tpu.dma_semaphore, #tpu.memory_space<semaphore_mem>>) src(%arg7 : memref<80x16xf32, #tpu.memory_space<vmem>>) dst(%dma_wait3A_34 : memref<80x16xf32, #tpu.memory_space<vmem_shared>>)
        tpu.yield
      }) : () -> ()
    }
    %scan3A_11 = arith.constant 8 : i32
    %barrier3A = arith.constant 0 : index
    tpu.barrier barrier_id(%barrier3A)
    "tpu.region"() ({
      %run_scoped3A = tpu.sem_alloc : memref<!tpu.dma_semaphore, #tpu.memory_space<semaphore_mem>>
      %dma_start3A = arith.constant 0 : i32
      %dma_start3A_23 = arith.constant 0 : i32
      %dma_start3A_24 = tpu.memref_slice %arg2[%add3A, %dma_start3A, %dma_start3A_23] : memref<32x125x80xi32, #tpu.memory_space<hbm>> -> memref<1x125x80xi32, #tpu.memory_space<hbm>>
      %dma_start3A_25 = tpu.memref_squeeze %dma_start3A_24 : memref<1x125x80xi32, #tpu.memory_space<hbm>> -> memref<125x80xi32, #tpu.memory_space<hbm>>
      %dma_start3A_26 = arith.constant 0 : i32
      %dma_start3A_27 = arith.constant 0 : i32
      %dma_start3A_28 = tpu.memref_slice %arg2[%add3A, %dma_start3A_26, %dma_start3A_27] : memref<32x125x80xi32, #tpu.memory_space<hbm>> -> memref<1x125x80xi32, #tpu.memory_space<hbm>>
      %dma_start3A_29 = tpu.memref_squeeze %dma_start3A_28 : memref<1x125x80xi32, #tpu.memory_space<hbm>> -> memref<125x80xi32, #tpu.memory_space<hbm>>
      tpu.enqueue_dma source(%dma_start3A_29 : memref<125x80xi32, #tpu.memory_space<hbm>>) target(%arg5 : memref<125x80xi32, #tpu.memory_space<vmem>>) target_semaphore(%run_scoped3A : memref<!tpu.dma_semaphore, #tpu.memory_space<semaphore_mem>>)
      %dma_wait3A = arith.constant 0 : i32
      %dma_wait3A_30 = arith.constant 0 : i32
      %dma_wait3A_31 = tpu.memref_slice %arg2[%add3A, %dma_wait3A, %dma_wait3A_30] : memref<32x125x80xi32, #tpu.memory_space<hbm>> -> memref<1x125x80xi32, #tpu.memory_space<hbm>>
      %dma_wait3A_32 = tpu.memref_squeeze %dma_wait3A_31 : memref<1x125x80xi32, #tpu.memory_space<hbm>> -> memref<125x80xi32, #tpu.memory_space<hbm>>
      %dma_wait3A_33 = arith.constant 0 : i32
      %dma_wait3A_34 = arith.constant 0 : i32
      %dma_wait3A_35 = tpu.memref_slice %arg2[%add3A, %dma_wait3A_33, %dma_wait3A_34] : memref<32x125x80xi32, #tpu.memory_space<hbm>> -> memref<1x125x80xi32, #tpu.memory_space<hbm>>
      %dma_wait3A_36 = tpu.memref_squeeze %dma_wait3A_35 : memref<1x125x80xi32, #tpu.memory_space<hbm>> -> memref<125x80xi32, #tpu.memory_space<hbm>>
      tpu.wait_dma2 semaphore(%run_scoped3A : memref<!tpu.dma_semaphore, #tpu.memory_space<semaphore_mem>>) src(%dma_wait3A_36 : memref<125x80xi32, #tpu.memory_space<hbm>>) dst(%arg5 : memref<125x80xi32, #tpu.memory_space<vmem>>)
      tpu.yield
    }) : () -> ()
    %scan3A_12 = arith.constant 0 : i32
    %scan3A_13 = arith.constant 0 : i32
    %scan3A_14 = arith.constant 125 : i32
    %scan3A_15 = arith.addi %scan3A_13, %scan3A_14 : i32
    %scan3A_16 = arith.constant 1 : i32
    scf.for %scan3A_23 = %scan3A_13 to %scan3A_15 step %scan3A_16  : i32 {
      "tpu.region"() ({
        %run_scoped3A = tpu.sem_alloc : memref<!tpu.dma_semaphore, #tpu.memory_space<semaphore_mem>>
        %dma_start3A = arith.constant 0 : i32
        %dma_start3A_24 = tpu.memref_slice %arg5[%scan3A_23, %dma_start3A] : memref<125x80xi32, #tpu.memory_space<vmem>> -> memref<1x80xi32, #tpu.memory_space<vmem>>
        %dma_start3A_25 = tpu.memref_squeeze %dma_start3A_24 : memref<1x80xi32, #tpu.memory_space<vmem>> -> memref<80xi32, #tpu.memory_space<vmem>>
        %dma_start3A_26 = arith.constant 0 : i32
        %dma_start3A_27 = arith.constant 0 : i32
        %dma_start3A_28 = tpu.memref_slice %arg4[%dma_start3A_26, %dma_start3A_27] : memref<10240x16xf32, #tpu.memory_space<vmem_shared>> -> memref<10240x16xf32, #tpu.memory_space<vmem_shared>>
        tpu.enqueue_indirect_dma source(%arg6 : memref<80x16xf32, #tpu.memory_space<vmem>>) target(%dma_start3A_28 : memref<10240x16xf32, #tpu.memory_space<vmem_shared>>) offsets(%dma_start3A_25 : memref<80xi32, #tpu.memory_space<vmem>>) semaphore(%run_scoped3A : memref<!tpu.dma_semaphore, #tpu.memory_space<semaphore_mem>>) {add = true}
        %dma_wait3A = arith.constant 0 : i32
        %dma_wait3A_29 = tpu.memref_slice %arg5[%scan3A_23, %dma_wait3A] : memref<125x80xi32, #tpu.memory_space<vmem>> -> memref<1x80xi32, #tpu.memory_space<vmem>>
        %dma_wait3A_30 = tpu.memref_squeeze %dma_wait3A_29 : memref<1x80xi32, #tpu.memory_space<vmem>> -> memref<80xi32, #tpu.memory_space<vmem>>
        %dma_wait3A_31 = arith.constant 0 : i32
        %dma_wait3A_32 = arith.constant 0 : i32
        %dma_wait3A_33 = tpu.memref_slice %arg4[%dma_wait3A_31, %dma_wait3A_32] : memref<10240x16xf32, #tpu.memory_space<vmem_shared>> -> memref<10240x16xf32, #tpu.memory_space<vmem_shared>>
        tpu.wait_indirect_dma semaphore(%run_scoped3A : memref<!tpu.dma_semaphore, #tpu.memory_space<semaphore_mem>>) src(%arg6 : memref<80x16xf32, #tpu.memory_space<vmem>>) dst(%dma_wait3A_33 : memref<10240x16xf32, #tpu.memory_space<vmem_shared>>)
        tpu.yield
      }) : () -> ()
    }
    %scan3A_17 = arith.constant 125 : i32
    %barrier3A_18 = arith.constant 0 : index
    tpu.barrier barrier_id(%barrier3A_18)
    %mul3A_19 = arith.constant 640 : i32
    %mul3A_20 = arith.muli %arg1, %mul3A_19 : i32
    %mul3A_21 = arith.constant 640 : i32
    %mul3A_22 = arith.muli %arg1, %mul3A_21 : i32
    "tpu.region"() ({
      %run_scoped3A = tpu.sem_alloc : memref<!tpu.dma_semaphore, #tpu.memory_space<semaphore_mem>>
      %dma_start3A = arith.constant 0 : i32
      %dma_start3A_23 = tpu.memref_slice %arg3[%arg0, %mul3A_22, %dma_start3A] : memref<2x10240x16xf32, #tpu.memory_space<hbm>> -> memref<1x640x16xf32, #tpu.memory_space<hbm>>
      %dma_start3A_24 = tpu.memref_squeeze %dma_start3A_23 : memref<1x640x16xf32, #tpu.memory_space<hbm>> -> memref<640x16xf32, #tpu.memory_space<hbm>>
      %dma_start3A_25 = arith.constant 0 : i32
      %dma_start3A_26 = tpu.memref_slice %arg4[%mul3A_20, %dma_start3A_25] : memref<10240x16xf32, #tpu.memory_space<vmem_shared>> -> memref<640x16xf32, #tpu.memory_space<vmem_shared>>
      tpu.enqueue_dma source(%dma_start3A_26 : memref<640x16xf32, #tpu.memory_space<vmem_shared>>) target(%dma_start3A_24 : memref<640x16xf32, #tpu.memory_space<hbm>>) target_semaphore(%run_scoped3A : memref<!tpu.dma_semaphore, #tpu.memory_space<semaphore_mem>>)
      %dma_wait3A = arith.constant 0 : i32
      %dma_wait3A_27 = tpu.memref_slice %arg3[%arg0, %mul3A_22, %dma_wait3A] : memref<2x10240x16xf32, #tpu.memory_space<hbm>> -> memref<1x640x16xf32, #tpu.memory_space<hbm>>
      %dma_wait3A_28 = tpu.memref_squeeze %dma_wait3A_27 : memref<1x640x16xf32, #tpu.memory_space<hbm>> -> memref<640x16xf32, #tpu.memory_space<hbm>>
      %dma_wait3A_29 = arith.constant 0 : i32
      %dma_wait3A_30 = tpu.memref_slice %arg4[%mul3A_20, %dma_wait3A_29] : memref<10240x16xf32, #tpu.memory_space<vmem_shared>> -> memref<640x16xf32, #tpu.memory_space<vmem_shared>>
      tpu.wait_dma2 semaphore(%run_scoped3A : memref<!tpu.dma_semaphore, #tpu.memory_space<semaphore_mem>>) src(%dma_wait3A_30 : memref<640x16xf32, #tpu.memory_space<vmem_shared>>) dst(%dma_wait3A_28 : memref<640x16xf32, #tpu.memory_space<hbm>>)
      tpu.yield
    }) : () -> ()
    return
  }
}

module attributes {stable_mosaic.version = 14 : i64} {
  func.func @_scale_body(%arg0: i32, %arg1: memref<1024x144xf32, #tpu.memory_space<vmem>>, %arg2: memref<2x1024x16xf32, #tpu.memory_space<vmem>>, %arg3: memref<1024x144xf32, #tpu.memory_space<vmem>>, %arg4: memref<1024x16xf32, #tpu.memory_space<vmem>>) attributes {dimension_semantics = [#tpu.dimension_semantics<arbitrary>], iteration_bounds = array<i64: 10>, scalar_prefetch = 0 : i64, scratch_operands = 0 : i64, tpu.core_type = #tpu.core_type<tc>, window_params = [{transform_indices = @transform_0, window_bounds = array<i64: 1024, 144>}, {transform_indices = @transform_1, window_bounds = array<i64: 2, 1024, 16>}, {transform_indices = @transform_2, window_bounds = array<i64: 1024, 144>}, {transform_indices = @transform_3, window_bounds = array<i64: 1024, 16>}]} {
    %get3A = arith.constant 0 : index
    %get3A_0 = arith.constant 0 : index
    %get3A_1 = arith.constant 0 : index
    %get3A_2 = vector.load %arg2[%get3A, %get3A_0, %get3A_1] : memref<2x1024x16xf32, #tpu.memory_space<vmem>>, vector<1x1024x16xf32>
    %get3A_3 = vector.shape_cast %get3A_2 : vector<1x1024x16xf32> to vector<1024x16xf32>
    %get3A_4 = arith.constant 1 : index
    %get3A_5 = arith.constant 0 : index
    %get3A_6 = arith.constant 0 : index
    %get3A_7 = vector.load %arg2[%get3A_4, %get3A_5, %get3A_6] : memref<2x1024x16xf32, #tpu.memory_space<vmem>>, vector<1x1024x16xf32>
    %get3A_8 = vector.shape_cast %get3A_7 : vector<1x1024x16xf32> to vector<1024x16xf32>
    %add3A = arith.addf %get3A_3, %get3A_8 : vector<1024x16xf32>
    %max3A = arith.constant 1.000000e+00 : f32
    %max3A_9 = vector.broadcast %max3A : f32 to vector<1024x16xf32>
    %max3A_10 = arith.maximumf %add3A, %max3A_9 : vector<1024x16xf32>
    %rsqrt3A = math.rsqrt %max3A_10 : vector<1024x16xf32>
    %swap3A = arith.constant 0 : index
    %swap3A_11 = arith.constant 0 : index
    %swap3A_12 = vector.load %arg4[%swap3A, %swap3A_11] : memref<1024x16xf32, #tpu.memory_space<vmem>>, vector<1024x16xf32>
    tpu.vector_store %arg4[%swap3A, %swap3A_11], %rsqrt3A {strides = array<i32>} : memref<1024x16xf32, #tpu.memory_space<vmem>>, vector<1024x16xf32>,
    %get3A_13 = arith.constant 0 : index
    %get3A_14 = arith.constant 0 : index
    %get3A_15 = vector.load %arg1[%get3A_13, %get3A_14] : memref<1024x144xf32, #tpu.memory_space<vmem>>, vector<1024x144xf32>
    %slice3A = vector.extract_strided_slice %rsqrt3A {offsets = [0, 0], sizes = [1024, 1], strides = [1, 1]} : vector<1024x16xf32> to vector<1024x1xf32>
    %mul3A = vector.broadcast %slice3A : vector<1024x1xf32> to vector<1024x144xf32>
    %mul3A_16 = arith.mulf %get3A_15, %mul3A : vector<1024x144xf32>
    %swap3A_17 = arith.constant 0 : index
    %swap3A_18 = arith.constant 0 : index
    %swap3A_19 = vector.load %arg3[%swap3A_17, %swap3A_18] : memref<1024x144xf32, #tpu.memory_space<vmem>>, vector<1024x144xf32>
    tpu.vector_store %arg3[%swap3A_17, %swap3A_18], %mul3A_16 {strides = array<i32>} : memref<1024x144xf32, #tpu.memory_space<vmem>>, vector<1024x144xf32>,
    return
  }
  func.func @transform_0(%arg0: i32) -> (i32, i32) {
    %c0_i32 = arith.constant 0 : i32
    %c0_i32_0 = arith.constant 0 : i32
    return %arg0, %c0_i32 : i32, i32
  }
  func.func @transform_1(%arg0: i32) -> (i32, i32, i32) {
    %c0_i32 = arith.constant 0 : i32
    %c0_i32_0 = arith.constant 0 : i32
    %c0_i32_1 = arith.constant 0 : i32
    return %c0_i32, %arg0, %c0_i32_0 : i32, i32, i32
  }
  func.func @transform_2(%arg0: i32) -> (i32, i32) {
    %c0_i32 = arith.constant 0 : i32
    %c0_i32_0 = arith.constant 0 : i32
    return %arg0, %c0_i32 : i32, i32
  }
  func.func @transform_3(%arg0: i32) -> (i32, i32) {
    %c0_i32 = arith.constant 0 : i32
    %c0_i32_0 = arith.constant 0 : i32
    return %arg0, %c0_i32 : i32, i32
  }
}

module attributes {stable_mosaic.version = 14 : i64} {
  func.func @_out_body(%arg0: i32, %arg1: memref<1x1024x144xf32, #tpu.memory_space<vmem>>, %arg2: memref<1x1024x144xf32, #tpu.memory_space<vmem>>, %arg3: memref<1024x16xf32, #tpu.memory_space<vmem>>, %arg4: memref<144x256xf32, #tpu.memory_space<vmem>>, %arg5: memref<1x1xf32, #tpu.memory_space<vmem>>, %arg6: memref<1024x256xf32, #tpu.memory_space<vmem>>, %arg7: memref<1024x256xf32, #tpu.memory_space<vmem>>, %arg8: memref<8x256xf32, #tpu.memory_space<vmem>>) attributes {dimension_semantics = [#tpu.dimension_semantics<arbitrary>], iteration_bounds = array<i64: 10>, scalar_prefetch = 0 : i64, scratch_operands = 0 : i64, tpu.core_type = #tpu.core_type<tc>, window_params = [{transform_indices = @transform_0, window_bounds = array<i64: 1, 1024, 144>}, {transform_indices = @transform_1, window_bounds = array<i64: 1, 1024, 144>}, {transform_indices = @transform_2, window_bounds = array<i64: 1024, 16>}, {pipeline_mode = #tpu.pipeline_mode<synchronous>, transform_indices = @transform_3, window_bounds = array<i64: 144, 256>}, {pipeline_mode = #tpu.pipeline_mode<synchronous>, transform_indices = @transform_4, window_bounds = array<i64: 1, 1>}, {transform_indices = @transform_5, window_bounds = array<i64: 1024, 256>}, {transform_indices = @transform_6, window_bounds = array<i64: 1024, 256>}, {pipeline_mode = #tpu.pipeline_mode<synchronous>, transform_indices = @transform_7, window_bounds = array<i64: 8, 256>}]} {
    %get3A = arith.constant 0 : index
    %get3A_0 = arith.constant 0 : index
    %get3A_1 = vector.load %arg4[%get3A, %get3A_0] : memref<144x256xf32, #tpu.memory_space<vmem>>, vector<144x256xf32>
    %get3A_2 = arith.constant 0 : index
    %get3A_3 = arith.constant 0 : index
    %get3A_4 = vector.load %arg3[%get3A_2, %get3A_3] : memref<1024x16xf32, #tpu.memory_space<vmem>>, vector<1024x1xf32>
    %get3A_5 = arith.constant 0 : index
    %get3A_6 = arith.constant 0 : index
    %get3A_7 = vector.load %arg5[%get3A_5, %get3A_6] : memref<1x1xf32, #tpu.memory_space<vmem>>, vector<1x1xf32>
    %get3A_8 = vector.extract %get3A_7[0, 0] : f32 from vector<1x1xf32>
    %get3A_9 = arith.constant 0 : index
    %get3A_10 = arith.constant 0 : index
    %get3A_11 = arith.constant 0 : index
    %get3A_12 = vector.load %arg1[%get3A_9, %get3A_10, %get3A_11] : memref<1x1024x144xf32, #tpu.memory_space<vmem>>, vector<1x1024x144xf32>
    %get3A_13 = vector.shape_cast %get3A_12 : vector<1x1024x144xf32> to vector<1024x144xf32>
    %dot_general3A = arith.constant dense<0.000000e+00> : vector<1024x256xf32>
    %dot_general3A_14 = tpu.matmul %get3A_13, %get3A_1, %dot_general3A {dimension_numbers = #tpu.dot_dimension_numbers<[1], [0], [0], [1], [0, 0, 1, 1], [], []>, transpose_lhs_hint = false} : vector<1024x144xf32>, vector<144x256xf32>, vector<1024x256xf32> -> vector<1024x256xf32>
    %mul3A = vector.broadcast %get3A_4 : vector<1024x1xf32> to vector<1024x256xf32>
    %mul3A_15 = arith.mulf %dot_general3A_14, %mul3A : vector<1024x256xf32>
    %gt3A = arith.constant 0.000000e+00 : f32
    %gt3A_16 = vector.broadcast %gt3A : f32 to vector<1024x256xf32>
    %gt3A_17 = arith.cmpf ogt, %mul3A_15, %gt3A_16 : vector<1024x256xf32>
    %mul3A_18 = vector.broadcast %get3A_8 : f32 to vector<1024x256xf32>
    %mul3A_19 = arith.mulf %mul3A_18, %mul3A_15 : vector<1024x256xf32>
    %select_n3A = arith.select %gt3A_17, %mul3A_15, %mul3A_19 : vector<1024x256xi1>, vector<1024x256xf32>
    %swap3A = arith.constant 0 : index
    %swap3A_20 = arith.constant 0 : index
    %swap3A_21 = vector.load %arg6[%swap3A, %swap3A_20] : memref<1024x256xf32, #tpu.memory_space<vmem>>, vector<1024x256xf32>
    tpu.vector_store %arg6[%swap3A, %swap3A_20], %select_n3A {strides = array<i32>} : memref<1024x256xf32, #tpu.memory_space<vmem>>, vector<1024x256xf32>,
    %get3A_22 = arith.constant 0 : index
    %get3A_23 = arith.constant 0 : index
    %get3A_24 = arith.constant 0 : index
    %get3A_25 = vector.load %arg2[%get3A_22, %get3A_23, %get3A_24] : memref<1x1024x144xf32, #tpu.memory_space<vmem>>, vector<1x1024x144xf32>
    %get3A_26 = vector.shape_cast %get3A_25 : vector<1x1024x144xf32> to vector<1024x144xf32>
    %dot_general3A_27 = arith.constant dense<0.000000e+00> : vector<1024x256xf32>
    %dot_general3A_28 = tpu.matmul %get3A_26, %get3A_1, %dot_general3A_27 {dimension_numbers = #tpu.dot_dimension_numbers<[1], [0], [0], [1], [0, 0, 1, 1], [], []>, transpose_lhs_hint = false} : vector<1024x144xf32>, vector<144x256xf32>, vector<1024x256xf32> -> vector<1024x256xf32>
    %mul3A_29 = vector.broadcast %get3A_4 : vector<1024x1xf32> to vector<1024x256xf32>
    %mul3A_30 = arith.mulf %dot_general3A_28, %mul3A_29 : vector<1024x256xf32>
    %gt3A_31 = arith.constant 0.000000e+00 : f32
    %gt3A_32 = vector.broadcast %gt3A_31 : f32 to vector<1024x256xf32>
    %gt3A_33 = arith.cmpf ogt, %mul3A_30, %gt3A_32 : vector<1024x256xf32>
    %mul3A_34 = vector.broadcast %get3A_8 : f32 to vector<1024x256xf32>
    %mul3A_35 = arith.mulf %mul3A_34, %mul3A_30 : vector<1024x256xf32>
    %select_n3A_36 = arith.select %gt3A_33, %mul3A_30, %mul3A_35 : vector<1024x256xi1>, vector<1024x256xf32>
    %swap3A_37 = arith.constant 0 : index
    %swap3A_38 = arith.constant 0 : index
    %swap3A_39 = vector.load %arg7[%swap3A_37, %swap3A_38] : memref<1024x256xf32, #tpu.memory_space<vmem>>, vector<1024x256xf32>
    tpu.vector_store %arg7[%swap3A_37, %swap3A_38], %select_n3A_36 {strides = array<i32>} : memref<1024x256xf32, #tpu.memory_space<vmem>>, vector<1024x256xf32>,
    %eq3A = arith.constant 0 : i32
    %eq3A_40 = arith.cmpi eq, %arg0, %eq3A : i32
    %convert_element_type3A = arith.extui %eq3A_40 : i1 to i32
    %cond3A = arith.constant 0 : i32
    %cond3A_41 = arith.cmpi ne, %convert_element_type3A, %cond3A : i32
    scf.if %cond3A_41 {
      %broadcast_in_dim3A_54 = arith.constant 0.000000e+00 : f32
      %broadcast_in_dim3A_55 = vector.broadcast %broadcast_in_dim3A_54 : f32 to vector<8x256xf32>
      %swap3A_56 = arith.constant 0 : index
      %swap3A_57 = arith.constant 0 : index
      %swap3A_58 = vector.load %arg8[%swap3A_56, %swap3A_57] : memref<8x256xf32, #tpu.memory_space<vmem>>, vector<8x256xf32>
      tpu.vector_store %arg8[%swap3A_56, %swap3A_57], %broadcast_in_dim3A_55 {strides = array<i32>} : memref<8x256xf32, #tpu.memory_space<vmem>>, vector<8x256xf32>,
    } else {
    }
    %get3A_42 = arith.constant 0 : index
    %get3A_43 = arith.constant 0 : index
    %get3A_44 = vector.load %arg8[%get3A_42, %get3A_43] : memref<8x256xf32, #tpu.memory_space<vmem>>, vector<1x256xf32>
    %reduce_sum3A = arith.constant dense<0.000000e+00> : vector<256xf32>
    %reduce_sum3A_45 = vector.multi_reduction <add>, %select_n3A, %reduce_sum3A [0] : vector<1024x256xf32> to vector<256xf32>
    %broadcast_in_dim3A = vector.shape_cast %reduce_sum3A_45 : vector<256xf32> to vector<1x256xf32>
    %add3A = arith.addf %get3A_44, %broadcast_in_dim3A : vector<1x256xf32>
    %swap3A_46 = arith.constant 0 : index
    %swap3A_47 = arith.constant 0 : index
    %swap3A_48 = vector.load %arg8[%swap3A_46, %swap3A_47] : memref<8x256xf32, #tpu.memory_space<vmem>>, vector<1x256xf32>
    tpu.vector_store %arg8[%swap3A_46, %swap3A_47], %add3A {strides = array<i32>} : memref<8x256xf32, #tpu.memory_space<vmem>>, vector<1x256xf32>,
    %eq3A_49 = arith.constant 9 : i32
    %eq3A_50 = arith.cmpi eq, %arg0, %eq3A_49 : i32
    %convert_element_type3A_51 = arith.extui %eq3A_50 : i1 to i32
    %cond3A_52 = arith.constant 0 : i32
    %cond3A_53 = arith.cmpi ne, %convert_element_type3A_51, %cond3A_52 : i32
    scf.if %cond3A_53 {
      %get3A_54 = arith.constant 0 : index
      %get3A_55 = arith.constant 0 : index
      %get3A_56 = vector.load %arg8[%get3A_54, %get3A_55] : memref<8x256xf32, #tpu.memory_space<vmem>>, vector<1x256xf32>
      %mul3A_57 = arith.constant 9.99999974E-5 : f32
      %mul3A_58 = vector.broadcast %mul3A_57 : f32 to vector<1x256xf32>
      %mul3A_59 = arith.mulf %get3A_56, %mul3A_58 : vector<1x256xf32>
      %logistic3A = arith.negf %mul3A_59 : vector<1x256xf32>
      %logistic3A_60 = math.exp %logistic3A : vector<1x256xf32>
      %logistic3A_61 = arith.constant 1.000000e+00 : f32
      %logistic3A_62 = vector.broadcast %logistic3A_61 : f32 to vector<1x256xf32>
      %logistic3A_63 = arith.addf %logistic3A_62, %logistic3A_60 : vector<1x256xf32>
      %logistic3A_64 = arith.divf %logistic3A_62, %logistic3A_63 : vector<1x256xf32>
      %swap3A_65 = arith.constant 0 : index
      %swap3A_66 = arith.constant 0 : index
      %swap3A_67 = vector.load %arg8[%swap3A_65, %swap3A_66] : memref<8x256xf32, #tpu.memory_space<vmem>>, vector<1x256xf32>
      tpu.vector_store %arg8[%swap3A_65, %swap3A_66], %logistic3A_64 {strides = array<i32>} : memref<8x256xf32, #tpu.memory_space<vmem>>, vector<1x256xf32>,
    } else {
    }
    return
  }
  func.func @transform_0(%arg0: i32) -> (i32, i32, i32) {
    %c0_i32 = arith.constant 0 : i32
    %c0_i32_0 = arith.constant 0 : i32
    %c0_i32_1 = arith.constant 0 : i32
    return %c0_i32, %arg0, %c0_i32_0 : i32, i32, i32
  }
  func.func @transform_1(%arg0: i32) -> (i32, i32, i32) {
    %c1_i32 = arith.constant 1 : i32
    %c0_i32 = arith.constant 0 : i32
    %c0_i32_0 = arith.constant 0 : i32
    return %c1_i32, %arg0, %c0_i32 : i32, i32, i32
  }
  func.func @transform_2(%arg0: i32) -> (i32, i32) {
    %c0_i32 = arith.constant 0 : i32
    %c0_i32_0 = arith.constant 0 : i32
    return %arg0, %c0_i32 : i32, i32
  }
  func.func @transform_3(%arg0: i32) -> (i32, i32) {
    %c0_i32 = arith.constant 0 : i32
    %c0_i32_0 = arith.constant 0 : i32
    %c0_i32_1 = arith.constant 0 : i32
    return %c0_i32, %c0_i32_0 : i32, i32
  }
  func.func @transform_4(%arg0: i32) -> (i32, i32) {
    %c0_i32 = arith.constant 0 : i32
    %c0_i32_0 = arith.constant 0 : i32
    %c0_i32_1 = arith.constant 0 : i32
    return %c0_i32, %c0_i32_0 : i32, i32
  }
  func.func @transform_5(%arg0: i32) -> (i32, i32) {
    %c0_i32 = arith.constant 0 : i32
    %c0_i32_0 = arith.constant 0 : i32
    return %arg0, %c0_i32 : i32, i32
  }
  func.func @transform_6(%arg0: i32) -> (i32, i32) {
    %c0_i32 = arith.constant 0 : i32
    %c0_i32_0 = arith.constant 0 : i32
    return %arg0, %c0_i32 : i32, i32
  }
  func.func @transform_7(%arg0: i32) -> (i32, i32) {
    %c0_i32 = arith.constant 0 : i32
    %c0_i32_0 = arith.constant 0 : i32
    %c0_i32_1 = arith.constant 0 : i32
    return %c0_i32, %c0_i32_0 : i32, i32
  }
}

</mosaic_0001>

<sc_bundles>
// kernel: kernel.6.cloned.1.call-start
scs
__scs_entry_jumppad:
0x0: {  	(pc) =	sbr.rel $0x88, $3  }
0x1: {  	(tag) =	ssettag $0x0;
	lr =	simm.s32 $0x1  }
0x2: {  	[smem:$0x3F9C] =	sst lr;
	_ =	strace $0xD0000000  }
0x3: {  	_ = 	snop  }
0x4: {  	_ = 	snop  }
0x5: {  	_ = 	snop  }
0x6: {  	_ = 	snop  }
0x7: {  	_ = 	snop  }
__scs_overlays_trampoline_lowered:
0x8: {  	[smem:$0x3FAB] =	sst s0  }
0x9: {  	[smem:$0x3FAC] =	sst s1  }
0xa: {  	[smem:$0x3FAD] =	sst s2  }
0xb: {  	[smem:$0x3FAE] =	sst s3  }
0xc: {  	[smem:$0x3FAF] =	sst s4  }
0xd: {  	[smem:$0x3FB0] =	sst s5  }
0xe: {  	[smem:$0x3FB1] =	sst s6  }
0xf: {  	[smem:$0x3FB2] =	sst s7  }
0x10: {  	[smem:$0x3FB3] =	sst s8  }
0x11: {  	[smem:$0x3FB4] =	sst s9;
	s0 =	simm.s32 @!p0 $0x0  }
0x12: {  	s1 =	sld [smem:$0x3F9A];
	s0 =	simm.s32 @p0 $0x1  }
0x13: {  	[smem:$0x3FB5] =	sst s0;
	s0 =	simm.s32 @!p1 $0x0  }
0x14: {  	s2 =	sld [smem:$0x3F99];
	s0 =	simm.s32 @p1 $0x1  }
0x15: {  	[smem:$0x3FB6] =	sst s0;
	s0 =	simm.s32 @!p2 $0x0  }
0x16: {  	s3 =	sld [smem:$0x3FDB];
	s0 =	simm.s32 @p2 $0x1  }
0x17: {  	s4 =	simm.s32 $0x1BF5;
	[smem:$0x3FB8] =	sst s0  }
0x18: {  	s0 =	sld [smem:$0x3F9B];
	_ =	swait.ge [sflag:s4], $0x0  }
0x19: {  	s7 =	sld [smem:$0x3F9C]  }
0x1a: {  	s8 =	sadd.s32 $0xFFFFE003, lr  }
0x1b: {  	s9 =	sadd.s32 $0xFFFFFEF7, lr;
	s5 =	simm.s32 $0xFFFFFFFF;
	p2 =	slt.u32 s8, $0xFFFFF086  }
0x1c: {  	p1 =	slt.u32 s9, $0xF7A;
	s5 =	simm.s32 @!p2 $0x0  }
0x1d: {  	s5 =	simm.s32 @p1 $0x1;
	p0 =	seq.s32 s7, s2  }
0x1e: {  	s7 =	smul.u32 @!p0 $0xF7A, s2;
	p2 =	seq.s32 @!p0 s5, $0x0  }
0x1f: {  	s9 =	smul.u32 $0xF7A, s1;
	s8 =	simm.s32 @!p0 $0x1BF5;
	p2 =	por !p2, p0  }
0x20: {  	[sflag:s8] =	ssyncset.s32 @!p0 $0xFFFFF086;
	s6 =	sadd.s32 @!p0 s3, s7;
	s7 =	simm.s32 @!p0 $0x108  }
0x21: {  	s3 =	sadd.s32 s3, s9;
	s6 =	sadd.s32 @!p0 $0x88, s6;
	s7 =	simm.s32 @p2 $0x1082  }
0x22: {  	[simem:s7], [sflag:s8] =	dma.local @!p0 [hbm:s6], $0xF7A  }
0x23: {  	s9 =	sor.u32 $0xD0000000, s2;
	s6 =	simm.s32 $0x108;
	_ =	swait.ge @!p0 [sflag:s8], $0x0  }
0x24: {  	s3 =	sadd.s32 $0x88, s3;
	s6 =	simm.s32 @!p1 $0x1082;
	[sflag:s4] =	ssyncset.s32 $0xFFFFF086  }
0x25: {  	[simem:s6], [sflag:s4] =	dma.local [hbm:s3], $0xF7A  }
0x26: {  	[smem:$0x3F9C] =	sst s1;
	(tag) =	ssettag s2;
	_ =	strace s9  }
0x27: {  	s1 =	sld [smem:$0x3FAC]  }
0x28: {  	s2 =	sld [smem:$0x3FAD]  }
0x29: {  	s4 =	sld [smem:$0x3FAF]  }
0x2a: {  	p0 =	seq.s32 s5, $0x0;
	s5 =	sld [smem:$0x3FB0]  }
0x2b: {  	s6 =	sld [smem:$0x3FB1]  }
0x2c: {  	s7 =	sld [smem:$0x3FB2]  }
0x2d: {  	s3 =	simm.s32 $0x108;
	s8 =	sld [smem:$0x3FB3]  }
0x2e: {  	s3 =	simm.s32 @!p0 $0x1082;
	s9 =	sld [smem:$0x3FB4]  }
0x2f: {  	lr =	sadd.s32 s0, s3;
	s0 =	sld [smem:$0x3FAB]  }
0x30: {  	s3 =	sld [smem:$0x3FAE]  }
0x31: {  	[smem:$0x3FB7] =	sst s10  }
0x32: {  	s10 =	sld [smem:$0x3FB5];
	_ =	sdelay $0x3  }
0x33: {  	p0 =	seq.s32 s10, $0x1;
	s10 =	sld [smem:$0x3FB7];
	_ =	sdelay $0x3  }
0x34: {  	[smem:$0x3FB7] =	sst s10  }
0x35: {  	s10 =	sld [smem:$0x3FB6];
	_ =	sdelay $0x3  }
0x36: {  	p1 =	seq.s32 s10, $0x1;
	s10 =	sld [smem:$0x3FB7];
	_ =	sdelay $0x3  }
0x37: {  	[smem:$0x3FB7] =	sst s10  }
0x38: {  	s10 =	sld [smem:$0x3FB8]  }
0x39: {  	_ = 	snop;
	(pc) =	sbr.ind lr, $3  }
0x3a: {  	_ = 	snop  }
0x3b: {  	_ = 	snop  }
0x3c: {  	p2 =	seq.s32 s10, $0x1;
	s10 =	sld [smem:$0x3FB7]  }
0x3d: {  	_ =	shalt  }
0x3e: {  	_ =	shalt  }
0x3f: {  	_ =	shalt  }
0x40: {  	_ =	shalt  }
0x41: {  	_ =	shalt  }
0x42: {  	_ =	shalt  }
0x43: {  	_ =	shalt  }
0x44: {  	_ =	shalt  }
0x45: {  	_ =	shalt  }
0x46: {  	_ =	shalt  }
0x47: {  	_ =	shalt  }
0x48: {  	_ =	shalt  }
0x49: {  	_ =	shalt  }
0x4a: {  	_ =	shalt  }
0x4b: {  	_ =	shalt  }
0x4c: {  	_ =	shalt  }
0x4d: {  	_ =	shalt  }
0x4e: {  	_ =	shalt  }
0x4f: {  	_ =	shalt  }
0x50: {  	_ =	shalt  }
0x51: {  	_ =	shalt  }
0x52: {  	_ =	shalt  }
0x53: {  	_ =	shalt  }
0x54: {  	_ =	shalt  }
0x55: {  	_ =	shalt  }
0x56: {  	_ =	shalt  }
0x57: {  	_ =	shalt  }
0x58: {  	_ =	shalt  }
0x59: {  	_ =	shalt  }
0x5a: {  	_ =	shalt  }
0x5b: {  	_ =	shalt  }
0x5c: {  	_ =	shalt  }
0x5d: {  	_ =	shalt  }
0x5e: {  	_ =	shalt  }
0x5f: {  	_ =	shalt  }
0x60: {  	_ =	shalt  }
0x61: {  	_ =	shalt  }
0x62: {  	_ =	shalt  }
0x63: {  	_ =	shalt  }
0x64: {  	_ =	shalt  }
0x65: {  	_ =	shalt  }
0x66: {  	_ =	shalt  }
0x67: {  	_ =	shalt  }
0x68: {  	_ =	shalt  }
0x69: {  	_ =	shalt  }
0x6a: {  	_ =	shalt  }
0x6b: {  	_ =	shalt  }
0x6c: {  	_ =	shalt  }
0x6d: {  	_ =	shalt  }
0x6e: {  	_ =	shalt  }
0x6f: {  	_ =	shalt  }
0x70: {  	_ =	shalt  }
0x71: {  	_ =	shalt  }
0x72: {  	_ =	shalt  }
0x73: {  	_ =	shalt  }
0x74: {  	_ =	shalt  }
0x75: {  	_ =	shalt  }
0x76: {  	_ =	shalt  }
0x77: {  	_ =	shalt  }
0x78: {  	_ =	shalt  }
0x79: {  	_ =	shalt  }
0x7a: {  	_ =	shalt  }
0x7b: {  	_ =	shalt  }
0x7c: {  	_ =	shalt  }
0x7d: {  	_ =	shalt  }
0x7e: {  	_ =	shalt  }
0x7f: {  	_ =	shalt  }
0x80: {  	_ =	shalt  }
0x81: {  	_ =	shalt  }
0x82: {  	_ =	shalt  }
0x83: {  	_ =	shalt  }
0x84: {  	_ =	shalt  }
0x85: {  	_ =	shalt  }
0x86: {  	_ =	shalt  }
0x87: {  	_ =	shalt  }
.Lfunc_end0:
.L_simem_size_0:
called_computation_lowered:
.L_overlay_start_0:
0x88: {  	s2 =	sld [smem:$0x3FD9]  }
0x89: {  	s3 =	sld [smem:$0x3FFE];
	_ =	sdelay $0x1  }
0x8a: {  	s1 =	srdreg.scid  }
0x8b: {  	s0 =	sand.u32 $0x1, s1  }
0x8c: {  	s14 =	sshll.u32 s0, $0xA;
	s2 =	sadd.s32 s3, s2  }
0x8d: {  	s2 =	sadd.s32 s2, s14  }
0x8e: {  	[smem:$0x3FC3] =	sst s2  }
0x8f: {  	_ = 	snop  }
0x90: {  	s2 =	sld [smem:$0x3FD0];
	_ =	sdelay $0x2  }
0x91: {  	s15 =	simm.s32 $0xA;
	s4 =	simm.s32 $0x10  }
0x92: {  	[smem:s4], [sflag:s15] =	dma.local [hbm:s2], $0x1  }
0x93: {  	_ =	swait.eq [sflag:s15], $0x1  }
0x94: {  	[sflag:s15] =	ssyncset.done $0x0  }
0x95: {  	[sflag:s15] =	ssyncadd.s32 $0xFFFFFFFF  }
0x96: {  	s16 =	sld [smem:$0x11];
	(tm) =	ssettm $0x1  }
0x97: {  	s17 =	sld [smem:$0x3FFB];
	_ =	sdelay $0x3  }
0x98: {  	_ =	strace s17  }
0x99: {  	s3 =	sld [smem:$0x3FFC];
	_ =	sdelay $0x3  }
0x9a: {  	_ =	strace s3  }
0x9b: {  	s3 =	sld [smem:$0x3FFD];
	_ =	sdelay $0x3  }
0x9c: {  	_ =	strace s3  }
0x9d: {  	_ =	strace $0x8FFFFFFF  }
0x9e: {  	s18 =	sld [smem:$0x3FDB];
	_ =	sdelay $0x1  }
0x9f: {  	s19 =	simm.s32 $_scs_section_size  }
0xa0: {  	s5 =	simm.s32 $_size__tile_overlayer_lowered;
	s6 =	simm.s32 $_tile_overlayer_lowered  }
0xa1: {  	s22 =	simm.s32 $0x1BFF;
	s21 =	sshll.u32 s6, $0x1;
	s3 =	sadd.s32 s19, s18  }
0xa2: {  	s7 =	simm.s32 $0x0;
	s20 =	sshll.u32 s5, $0x1;
	s5 =	sadd.s32 s21, s3  }
0xa3: {  	[timem:s7], [sflag:s22] =	dma.local [hbm:s5], s20  }
0xa4: {  	_ =	swait.ge [sflag:s22], s20  }
0xa5: {  	s4 =	ssub.s32 $0x0, s20;
	[sflag:s22] =	ssyncset.done $0x0  }
0xa6: {  	[sflag:s22] =	ssyncadd.s32 s4;
	_ =	sdelay $0x1  }
0xa7: {  	s23 =	simm.s32 $0x1B8B  }
0xa8: {  	_ =	swait.ge [sflag:s23], $0x1  }
0xa9: {  	[sflag:s23] =	ssyncset.done $0x0  }
0xaa: {  	s25 =	simm.s32 $0x1B8E;
	s24 =	sld [smem:$0x3FFE];
	[sflag:s23] =	ssyncadd.s32 $0xFFFFFFFF  }
0xab: {  	s26 =	simm.s32 $execute0_lowered;
	[smem:$0x3FD2] =	sst s25  }
0xac: {  	s5 =	sshll.u32 s26, $0x1;
	_ =	strace $0x80000046;
	[dreg:$0x1] =	wrdreg $0xFFFFFFFF  }
0xad: {  	s28 =	simm.s32 $_size_execute0_lowered;
	s3 =	sadd.s32 s3, s5;
	[dreg:$0x0] =	wrdreg $0x0  }
0xae: {  	s5 =	sshll.u32 s28, $0x1;
	[dreg:$0x2] =	wrdreg s3  }
0xaf: {  	[dreg:$0x3] =	wrdreg s5  }
0xb0: {  	[dreg:$0x4] =	wrdreg $0xC0  }
0xb1: {  	_ =	task [dreg:s7], $0x5FFFF  }
0xb2: {  	[dreg:$0x1] =	wrdreg $0xFFFFFFFF  }
0xb3: {  	[dreg:$0x0] =	wrdreg $0x60  }
0xb4: {  	[dreg:$0x2] =	wrdreg s24  }
0xb5: {  	[dreg:$0x3] =	wrdreg s16  }
0xb6: {  	[dreg:$0x4] =	wrdreg $0x0  }
0xb7: {  	[dreg:$0x5] =	wrdreg $0x9  }
0xb8: {  	_ =	task.clear_ibuf [dreg:s7], $0x6FFFF;
	_ =	strace $0x90000046  }
0xb9: {  	s29 =	simm.s32 $0x9;
	_ =	strace $0x80000048  }
0xba: {  	_ =	swait.ge [sflag:s29], $0x1  }
0xbb: {  	[sflag:s29] =	ssyncadd.s32 $0xFFFFFFFF  }
0xbc: {  	_ =	strace $0x90000048  }
0xbd: {  	_ =	sfence  }
0xbe: {  	s30 =	sld [smem:$0x0];
	_ =	sdelay $0x2  }
0xbf: {  	s31 =	sshll.u32 s1, $0xD;
	s1 =	sshrl.u32 s1, $0x2  }
0xc0: {  	s3 =	sand.u32 $0x4000, s31;
	s1 =	sadd.s32 s1, s30  }
0xc1: {  	s0 =	sor.u32 s3, s0;
	s1 =	sshll.u32 s1, $0x11  }
0xc2: {  	s0 =	sor.u32 s1, s0  }
0xc3: {  	s0 =	sadd.s32 $0x8F2B, s0  }
0xc4: {  	[sflag:s0] =	ssyncadd.remote.s32 $0x1  }
0xc5: {  	_ =	sfence.sel $0xFFFF  }
0xc6: {  	[dreg:$0x0] =	wrdreg $0xFFFFFFFF;
	(pc) =	sbr.abs _section_cstart, $3  }
0xc7: {  	[dreg:$0x1] =	wrdreg $0xFFFFFFFF  }
0xc8: {  	_ =	task.clear_ibuf [dreg:s7], $0x2FFFF;
	_ =	strace $0x9FFFFFFF  }
0xc9: {  	(tm) =	ssettm $0x7FFFFFFF  }
tec
execute0_lowered:
.L_overlay_start_1:
0x0: {  	(tag) =	ssettag $0x1  }
0x1: {  	s4 =	rddreg [dreg:$0x0]  }
0x2: {  	s5 =	rddreg [dreg:$0x1]  }
0x3: {  	s1 =	rddreg [dreg:$0x2];
	s2 =	srdreg.scid  }
0x4: {  	s0 =	rddreg [dreg:$0x3];
	s3 =	simm.s32 $0x0;
	s15 =	simm.s32 $0x5410  }
0x5: {  	s16 =	simm.s32 $0x1;
	s17 =	simm.s32 $0x2800;
	s18 =	simm.s32 $0x50  }
0x6: {  	s19 =	simm.s32 $0x4F10;
	s6 =	sand.u32 $0x1, s2;
	s2 =	stileid.u32  }
0x7: {  	[smem:$0x7FF] =	sst s3;
	s7 =	sshll.u32 s6, $0x4;
	s8 =	smul.u32 $0x28000, s6  }
0x8: {  	s9 =	smul.u32 $0x2800, s2;
	_ =	strace $0x80000047;
	s6 =	ssub.s32 $0x2, s6  }
0x9: {  	s11 =	smul.u32 $0xA000, s2;
	s20 =	sshll.u32 s2, $0x6;
	s7 =	sor.u32 s2, s7  }
0xa: {  	s10 =	sshrl.u32 s6, $0x1;
	s20 =	sor.u32 $0x1C01, s20;
	s7 =	smul.u32 $0x4E2, s7  }
0xb: {  	s8 =	sadd.s32 s9, s8;
	s6 =	ssub.s32 s6, s10;
	s31 =	sshrl.u32 s11, $0x2  }
0xc: {  	s21 =	sadd.s32 s9, s1;
	s30 =	sshrl.u32 s8, $0x3;
	s6 =	smax.u32 s6, $0x1  }
0xd: {  	s21 =	sshrl.u32 s21, $0x3;
	s4 =	sadd.s32 s7, s4;
	s7 =	sadd.s32 s31, s1  }
0xe: {  	s5 =	sadd.s32 s5, s30;
	s4 =	sadd.s32 $0x9E00, s4;
	s8 =	sadd.s32 $0x500, s7  }
0xf: {  	s9 =	sadd.s32 $0xA00, s7;
	s10 =	sadd.s32 $0xF00, s7;
	s11 =	sadd.s32 $0x1400, s7  }
0x10: {  	v0 =	vimm.f32 $1.000000000e+00;
	v1 =	vimm.f32 $0.0e+00;
	s12 =	sadd.s32 $0x1900, s7;
	s13 =	sadd.s32 $0x1E00, s7;
	s14 =	sadd.s32 $0x2300, s7  }
.LBB2_1:
0x11: {  	s22 =	simm.s32 $0x40;
	s23 =	simm.s32 $0x0  }
.LBB2_2:
0x12: {  	p0 =	sne.s32 s22, $0x13C0;
	[tilespmem:s23+$0x4F10] =	vst v0;
	s24 =	smov.u32 s22;
	s22 =	sadd.s32 $0x40, s22  }
.Ltmp0:
0x13: {  	[tilespmem:s23+$0x5410] =	vst v1;
	(pc) =	sbr.rel @p0 .LBB2_2-.Ltmp0, $2  }
0x14: {  	_ =	sdelay $0x2  }
0x15: {  	s23 =	sshra.s32 s24, $0x2  }
0x16: {  	[tilespmem:s23+$0x4F10] =	vst v0  }
0x17: {  	[tilespmem:s23+$0x5410] =	vst v1  }
0x18: {  	[spmem:s7] =	stream.linear.scatter [tilespmem:s15], [sflag:$0x1], $0x500, $0x38;
	[tilespmem:$0x5910] =	vst v63  }
0x19: {  	_ =	swait.ge [sflag:s16], $0x500  }
0x1a: {  	[sflag:s16] =	ssyncset.done $0x0  }
0x1b: {  	[sflag:s16] =	ssyncadd.s32 $0xFFFFFB00  }
0x1c: {  	[spmem:s8] =	stream.linear.scatter [tilespmem:s15], [sflag:$0x1], $0x500, $0x38;
	[tilespmem:$0x5910] =	vst v63  }
0x1d: {  	_ =	swait.ge [sflag:s16], $0x500  }
0x1e: {  	[sflag:s16] =	ssyncset.done $0x0  }
0x1f: {  	[sflag:s16] =	ssyncadd.s32 $0xFFFFFB00  }
0x20: {  	[spmem:s9] =	stream.linear.scatter [tilespmem:s15], [sflag:$0x1], $0x500, $0x38;
	[tilespmem:$0x5910] =	vst v63  }
0x21: {  	_ =	swait.ge [sflag:s16], $0x500  }
0x22: {  	[sflag:s16] =	ssyncset.done $0x0  }
0x23: {  	[sflag:s16] =	ssyncadd.s32 $0xFFFFFB00  }
0x24: {  	[spmem:s10] =	stream.linear.scatter [tilespmem:s15], [sflag:$0x1], $0x500, $0x38;
	[tilespmem:$0x5910] =	vst v63  }
0x25: {  	_ =	swait.ge [sflag:s16], $0x500  }
0x26: {  	[sflag:s16] =	ssyncset.done $0x0  }
0x27: {  	[sflag:s16] =	ssyncadd.s32 $0xFFFFFB00  }
0x28: {  	[spmem:s11] =	stream.linear.scatter [tilespmem:s15], [sflag:$0x1], $0x500, $0x38;
	[tilespmem:$0x5910] =	vst v63  }
0x29: {  	_ =	swait.ge [sflag:s16], $0x500  }
0x2a: {  	[sflag:s16] =	ssyncset.done $0x0  }
0x2b: {  	[sflag:s16] =	ssyncadd.s32 $0xFFFFFB00  }
0x2c: {  	[spmem:s12] =	stream.linear.scatter [tilespmem:s15], [sflag:$0x1], $0x500, $0x38;
	[tilespmem:$0x5910] =	vst v63  }
0x2d: {  	_ =	swait.ge [sflag:s16], $0x500  }
0x2e: {  	[sflag:s16] =	ssyncset.done $0x0  }
0x2f: {  	[sflag:s16] =	ssyncadd.s32 $0xFFFFFB00  }
0x30: {  	[spmem:s13] =	stream.linear.scatter [tilespmem:s15], [sflag:$0x1], $0x500, $0x38;
	[tilespmem:$0x5910] =	vst v63  }
0x31: {  	_ =	swait.ge [sflag:s16], $0x500  }
0x32: {  	[sflag:s16] =	ssyncset.done $0x0  }
0x33: {  	[sflag:s16] =	ssyncadd.s32 $0xFFFFFB00  }
0x34: {  	[spmem:s14] =	stream.linear.scatter [tilespmem:s15], [sflag:$0x1], $0x500, $0x38;
	[tilespmem:$0x5910] =	vst v63  }
0x35: {  	_ =	swait.ge [sflag:s16], $0x500  }
0x36: {  	[sflag:s16] =	ssyncset.done $0x0  }
0x37: {  	[sflag:s16] =	ssyncadd.s32 $0xFFFFFB00  }
0x38: {  	s22 =	simm.s32 $0x0;
	[bflag:$0x0] =	sbarrier.arrive $0xFFFF  }
0x39: {  	[tilespmem:s17], [sflag:$0x1] =	stream.linear.gather [hbm4b:s4+s22], $0x2710, $0x38;
	[tilespmem:$0x5910] =	vst v63  }
0x3a: {  	_ =	swait.ge [sflag:s16], $0x2710  }
0x3b: {  	[sflag:s16] =	ssyncset.done $0x0  }
0x3c: {  	s31 =	simm.s32 $0x2800;
	[sflag:s16] =	ssyncadd.s32 $0xFFFFD8F0  }
0x3d: {  	[spmem:s1] =	stream.indirect.scatter.add.f32 [tilespmem:s19], [sflag:$0x1], $0x10, s31, s18, $0xb8;
	[tilespmem:$0x5910] =	vst v63  }
0x3e: {  	s22 =	simm.s32 $0x140;
	_ =	swait.ge [sflag:s16], $0x500  }
.LBB2_4:
0x3f: {  	s23 =	sshra.s32 s22, $0x2;
	[sflag:s16] =	ssyncset.done $0x0;
	p0 =	sne.s32 s22, $0x9B00  }
.Ltmp1:
0x40: {  	s23 =	sadd.s32 $0x2800, s23;
	[sflag:s16] =	ssyncadd.s32 $0xFFFFFB00;
	(pc) =	sbr.rel @p0 .LBB2_4-.Ltmp1, $3  }
0x41: {  	[spmem:s1] =	stream.indirect.scatter.add.f32 [tilespmem:s19], [sflag:$0x1], $0x10, s23, s18, $0xb8;
	[tilespmem:$0x5910] =	vst v63  }
0x42: {  	s22 =	sadd.s32 $0x140, s22;
	_ =	sdelay $0x1  }
0x43: {  	_ =	swait.ge [sflag:s16], $0x500  }
0x44: {  	[sflag:s16] =	ssyncset.done $0x0;
	s3 =	sadd.s32 $0x1, s3  }
0x45: {  	[sflag:s16] =	ssyncadd.s32 $0xFFFFFB00;
	p0 =	sne.s32 s3, s6  }
.Ltmp2:
0x46: {  	[bflag:$0x0] =	sbarrier.arrive $0xFFFF;
	(pc) =	sbr.rel @p0 .LBB2_1-.Ltmp2, $4  }
0x47: {  	[hbm:s5], [sflag:s20] =	dma.local [spmem:s21], $0x500  }
0x48: {  	_ =	swait.ge [sflag:s16], $0x500  }
0x49: {  	[sflag:s16] =	ssyncset.done $0x0  }
0x4a: {  	[sflag:s16] =	ssyncadd.s32 $0xFFFFFB00  }
0x4b: {  	_ =	sfence.sel $0x180000  }
0x4c: {  	[bflag:$0x0] =	sbarrier.arrive $0xFFFF  }
0x4d: {  	p0 =	sne.s32 s2, $0x0;
	_ =	strace $0x90000047  }
0x4e: {  	s0 =	sadd.s32 @!p0 $0x100000, s0;
	[bflag:$0x2] =	sbarrier.arrive $0xFFFF  }
0x4f: {  	[sflag:s0] =	ssyncadd.tile.s32 @!p0 $0x1;
	_ =	shalt  }
.Lfunc_end2:
_tile_overlayer_lowered:
.L_overlay_start_2:
0x50: {  	(tag) =	ssettag $0x2  }
0x51: {  	s0 =	rddreg [dreg:$0x0];
	s2 =	stileid.u32  }
0x52: {  	s1 =	rddreg [dreg:$0x1];
	p0 =	sne.s32 s2, $0x0  }
0x53: {  	s3 =	rddreg [dreg:$0x2];
	[bflag:$0x3] =	sbarrier.arrive $0xFFFF;
	s2 =	simm.s32 @!p0 $0x1C01  }
0x54: {  	[timem:s3], [sflag:s2] =	dma.local @!p0 [hbm:s0], s1  }
0x55: {  	s0 =	simm.s32 @!p0 $0x1  }
0x56: {  	_ =	swait.ge @!p0 [sflag:s0], s1  }
0x57: {  	s1 =	ssub.s32 @!p0 $0x0, s1;
	[sflag:s0] =	ssyncset.done @!p0 $0x0  }
0x58: {  	[sflag:s0] =	ssyncadd.s32 @!p0 s1  }
0x59: {  	[bflag:$0x3] =	sbarrier.arrive $0xFFFF  }
0x5a: {  	_ =	shalt  }

// kernel: kernel.9.cloned.1.call-start
scs
__scs_entry_jumppad:
0x0: {  	(pc) =	sbr.rel $0x88, $3  }
0x1: {  	(tag) =	ssettag $0x0;
	lr =	simm.s32 $0x1  }
0x2: {  	[smem:$0x3F9C] =	sst lr;
	_ =	strace $0xD0000000  }
0x3: {  	_ = 	snop  }
0x4: {  	_ = 	snop  }
0x5: {  	_ = 	snop  }
0x6: {  	_ = 	snop  }
0x7: {  	_ = 	snop  }
__scs_overlays_trampoline_lowered:
0x8: {  	[smem:$0x3FAB] =	sst s0  }
0x9: {  	[smem:$0x3FAC] =	sst s1  }
0xa: {  	[smem:$0x3FAD] =	sst s2  }
0xb: {  	[smem:$0x3FAE] =	sst s3  }
0xc: {  	[smem:$0x3FAF] =	sst s4  }
0xd: {  	[smem:$0x3FB0] =	sst s5  }
0xe: {  	[smem:$0x3FB1] =	sst s6  }
0xf: {  	[smem:$0x3FB2] =	sst s7  }
0x10: {  	[smem:$0x3FB3] =	sst s8  }
0x11: {  	[smem:$0x3FB4] =	sst s9;
	s0 =	simm.s32 @!p0 $0x0  }
0x12: {  	s1 =	sld [smem:$0x3F9A];
	s0 =	simm.s32 @p0 $0x1  }
0x13: {  	[smem:$0x3FB5] =	sst s0;
	s0 =	simm.s32 @!p1 $0x0  }
0x14: {  	s2 =	sld [smem:$0x3F99];
	s0 =	simm.s32 @p1 $0x1  }
0x15: {  	[smem:$0x3FB6] =	sst s0;
	s0 =	simm.s32 @!p2 $0x0  }
0x16: {  	s3 =	sld [smem:$0x3FDB];
	s0 =	simm.s32 @p2 $0x1  }
0x17: {  	s4 =	simm.s32 $0x1BF5;
	[smem:$0x3FB8] =	sst s0  }
0x18: {  	s0 =	sld [smem:$0x3F9B];
	_ =	swait.ge [sflag:s4], $0x0  }
0x19: {  	s7 =	sld [smem:$0x3F9C]  }
0x1a: {  	s8 =	sadd.s32 $0xFFFFE003, lr  }
0x1b: {  	s9 =	sadd.s32 $0xFFFFFEF7, lr;
	s5 =	simm.s32 $0xFFFFFFFF;
	p2 =	slt.u32 s8, $0xFFFFF086  }
0x1c: {  	p1 =	slt.u32 s9, $0xF7A;
	s5 =	simm.s32 @!p2 $0x0  }
0x1d: {  	s5 =	simm.s32 @p1 $0x1;
	p0 =	seq.s32 s7, s2  }
0x1e: {  	s7 =	smul.u32 @!p0 $0xF7A, s2;
	p2 =	seq.s32 @!p0 s5, $0x0  }
0x1f: {  	s9 =	smul.u32 $0xF7A, s1;
	s8 =	simm.s32 @!p0 $0x1BF5;
	p2 =	por !p2, p0  }
0x20: {  	[sflag:s8] =	ssyncset.s32 @!p0 $0xFFFFF086;
	s6 =	sadd.s32 @!p0 s3, s7;
	s7 =	simm.s32 @!p0 $0x108  }
0x21: {  	s3 =	sadd.s32 s3, s9;
	s6 =	sadd.s32 @!p0 $0x88, s6;
	s7 =	simm.s32 @p2 $0x1082  }
0x22: {  	[simem:s7], [sflag:s8] =	dma.local @!p0 [hbm:s6], $0xF7A  }
0x23: {  	s9 =	sor.u32 $0xD0000000, s2;
	s6 =	simm.s32 $0x108;
	_ =	swait.ge @!p0 [sflag:s8], $0x0  }
0x24: {  	s3 =	sadd.s32 $0x88, s3;
	s6 =	simm.s32 @!p1 $0x1082;
	[sflag:s4] =	ssyncset.s32 $0xFFFFF086  }
0x25: {  	[simem:s6], [sflag:s4] =	dma.local [hbm:s3], $0xF7A  }
0x26: {  	[smem:$0x3F9C] =	sst s1;
	(tag) =	ssettag s2;
	_ =	strace s9  }
0x27: {  	s1 =	sld [smem:$0x3FAC]  }
0x28: {  	s2 =	sld [smem:$0x3FAD]  }
0x29: {  	s4 =	sld [smem:$0x3FAF]  }
0x2a: {  	p0 =	seq.s32 s5, $0x0;
	s5 =	sld [smem:$0x3FB0]  }
0x2b: {  	s6 =	sld [smem:$0x3FB1]  }
0x2c: {  	s7 =	sld [smem:$0x3FB2]  }
0x2d: {  	s3 =	simm.s32 $0x108;
	s8 =	sld [smem:$0x3FB3]  }
0x2e: {  	s3 =	simm.s32 @!p0 $0x1082;
	s9 =	sld [smem:$0x3FB4]  }
0x2f: {  	lr =	sadd.s32 s0, s3;
	s0 =	sld [smem:$0x3FAB]  }
0x30: {  	s3 =	sld [smem:$0x3FAE]  }
0x31: {  	[smem:$0x3FB7] =	sst s10  }
0x32: {  	s10 =	sld [smem:$0x3FB5];
	_ =	sdelay $0x3  }
0x33: {  	p0 =	seq.s32 s10, $0x1;
	s10 =	sld [smem:$0x3FB7];
	_ =	sdelay $0x3  }
0x34: {  	[smem:$0x3FB7] =	sst s10  }
0x35: {  	s10 =	sld [smem:$0x3FB6];
	_ =	sdelay $0x3  }
0x36: {  	p1 =	seq.s32 s10, $0x1;
	s10 =	sld [smem:$0x3FB7];
	_ =	sdelay $0x3  }
0x37: {  	[smem:$0x3FB7] =	sst s10  }
0x38: {  	s10 =	sld [smem:$0x3FB8]  }
0x39: {  	_ = 	snop;
	(pc) =	sbr.ind lr, $3  }
0x3a: {  	_ = 	snop  }
0x3b: {  	_ = 	snop  }
0x3c: {  	p2 =	seq.s32 s10, $0x1;
	s10 =	sld [smem:$0x3FB7]  }
0x3d: {  	_ =	shalt  }
0x3e: {  	_ =	shalt  }
0x3f: {  	_ =	shalt  }
0x40: {  	_ =	shalt  }
0x41: {  	_ =	shalt  }
0x42: {  	_ =	shalt  }
0x43: {  	_ =	shalt  }
0x44: {  	_ =	shalt  }
0x45: {  	_ =	shalt  }
0x46: {  	_ =	shalt  }
0x47: {  	_ =	shalt  }
0x48: {  	_ =	shalt  }
0x49: {  	_ =	shalt  }
0x4a: {  	_ =	shalt  }
0x4b: {  	_ =	shalt  }
0x4c: {  	_ =	shalt  }
0x4d: {  	_ =	shalt  }
0x4e: {  	_ =	shalt  }
0x4f: {  	_ =	shalt  }
0x50: {  	_ =	shalt  }
0x51: {  	_ =	shalt  }
0x52: {  	_ =	shalt  }
0x53: {  	_ =	shalt  }
0x54: {  	_ =	shalt  }
0x55: {  	_ =	shalt  }
0x56: {  	_ =	shalt  }
0x57: {  	_ =	shalt  }
0x58: {  	_ =	shalt  }
0x59: {  	_ =	shalt  }
0x5a: {  	_ =	shalt  }
0x5b: {  	_ =	shalt  }
0x5c: {  	_ =	shalt  }
0x5d: {  	_ =	shalt  }
0x5e: {  	_ =	shalt  }
0x5f: {  	_ =	shalt  }
0x60: {  	_ =	shalt  }
0x61: {  	_ =	shalt  }
0x62: {  	_ =	shalt  }
0x63: {  	_ =	shalt  }
0x64: {  	_ =	shalt  }
0x65: {  	_ =	shalt  }
0x66: {  	_ =	shalt  }
0x67: {  	_ =	shalt  }
0x68: {  	_ =	shalt  }
0x69: {  	_ =	shalt  }
0x6a: {  	_ =	shalt  }
0x6b: {  	_ =	shalt  }
0x6c: {  	_ =	shalt  }
0x6d: {  	_ =	shalt  }
0x6e: {  	_ =	shalt  }
0x6f: {  	_ =	shalt  }
0x70: {  	_ =	shalt  }
0x71: {  	_ =	shalt  }
0x72: {  	_ =	shalt  }
0x73: {  	_ =	shalt  }
0x74: {  	_ =	shalt  }
0x75: {  	_ =	shalt  }
0x76: {  	_ =	shalt  }
0x77: {  	_ =	shalt  }
0x78: {  	_ =	shalt  }
0x79: {  	_ =	shalt  }
0x7a: {  	_ =	shalt  }
0x7b: {  	_ =	shalt  }
0x7c: {  	_ =	shalt  }
0x7d: {  	_ =	shalt  }
0x7e: {  	_ =	shalt  }
0x7f: {  	_ =	shalt  }
0x80: {  	_ =	shalt  }
0x81: {  	_ =	shalt  }
0x82: {  	_ =	shalt  }
0x83: {  	_ =	shalt  }
0x84: {  	_ =	shalt  }
0x85: {  	_ =	shalt  }
0x86: {  	_ =	shalt  }
0x87: {  	_ =	shalt  }
.Lfunc_end0:
.L_simem_size_0:
called_computation.1_lowered:
.L_overlay_start_0:
0x88: {  	s2 =	sld [smem:$0x3FD9]  }
0x89: {  	s3 =	sld [smem:$0x3FFE];
	_ =	sdelay $0x1  }
0x8a: {  	s1 =	srdreg.scid  }
0x8b: {  	s0 =	sand.u32 $0x1, s1  }
0x8c: {  	s14 =	sshll.u32 s0, $0xA;
	s2 =	sadd.s32 s3, s2  }
0x8d: {  	s2 =	sadd.s32 s2, s14  }
0x8e: {  	[smem:$0x3FC3] =	sst s2  }
0x8f: {  	_ = 	snop  }
0x90: {  	s2 =	sld [smem:$0x3FD0];
	_ =	sdelay $0x2  }
0x91: {  	s15 =	simm.s32 $0xA;
	s4 =	simm.s32 $0x10  }
0x92: {  	[smem:s4], [sflag:s15] =	dma.local [hbm:s2], $0x1  }
0x93: {  	_ =	swait.eq [sflag:s15], $0x1  }
0x94: {  	[sflag:s15] =	ssyncset.done $0x0  }
0x95: {  	s16 =	sld [smem:$0x10];
	[sflag:s15] =	ssyncadd.s32 $0xFFFFFFFF  }
0x96: {  	s17 =	sld [smem:$0x11];
	(tm) =	ssettm $0x1  }
0x97: {  	s18 =	sld [smem:$0x3FFB];
	_ =	sdelay $0x3  }
0x98: {  	_ =	strace s18  }
0x99: {  	s4 =	sld [smem:$0x3FFC];
	_ =	sdelay $0x3  }
0x9a: {  	_ =	strace s4  }
0x9b: {  	s4 =	sld [smem:$0x3FFD];
	_ =	sdelay $0x3  }
0x9c: {  	_ =	strace s4  }
0x9d: {  	_ =	strace $0x8FFFFFFF  }
0x9e: {  	s19 =	sld [smem:$0x3FDB];
	_ =	sdelay $0x1  }
0x9f: {  	s5 =	simm.s32 $_scs_section_size  }
0xa0: {  	s6 =	simm.s32 $_size__tile_overlayer_lowered;
	s7 =	simm.s32 $_tile_overlayer_lowered  }
0xa1: {  	s22 =	simm.s32 $0x1BFF;
	s21 =	sshll.u32 s7, $0x1;
	s4 =	sadd.s32 s5, s19  }
0xa2: {  	s8 =	simm.s32 $0x0;
	s20 =	sshll.u32 s6, $0x1;
	s6 =	sadd.s32 s21, s4  }
0xa3: {  	[timem:s8], [sflag:s22] =	dma.local [hbm:s6], s20  }
0xa4: {  	_ =	swait.ge [sflag:s22], s20  }
0xa5: {  	s5 =	ssub.s32 $0x0, s20;
	[sflag:s22] =	ssyncset.done $0x0  }
0xa6: {  	[sflag:s22] =	ssyncadd.s32 s5;
	_ =	sdelay $0x1  }
0xa7: {  	s23 =	simm.s32 $0x1B8B  }
0xa8: {  	_ =	swait.ge [sflag:s23], $0x1  }
0xa9: {  	[sflag:s23] =	ssyncset.done $0x0  }
0xaa: {  	s25 =	simm.s32 $0x1B8E;
	s24 =	sld [smem:$0x3FFE];
	[sflag:s23] =	ssyncadd.s32 $0xFFFFFFFF  }
0xab: {  	s26 =	simm.s32 $execute0_lowered;
	[smem:$0x3FD2] =	sst s25  }
0xac: {  	s6 =	sshll.u32 s26, $0x1;
	_ =	strace $0x80000049;
	[dreg:$0x1] =	wrdreg $0xFFFFFFFF  }
0xad: {  	s28 =	simm.s32 $_size_execute0_lowered;
	s4 =	sadd.s32 s4, s6;
	[dreg:$0x0] =	wrdreg $0x0  }
0xae: {  	s6 =	sshll.u32 s28, $0x1;
	[dreg:$0x2] =	wrdreg s4  }
0xaf: {  	[dreg:$0x3] =	wrdreg s6  }
0xb0: {  	[dreg:$0x4] =	wrdreg $0xC0  }
0xb1: {  	_ =	task [dreg:s8], $0x5FFFF  }
0xb2: {  	[dreg:$0x1] =	wrdreg $0xFFFFFFFF  }
0xb3: {  	[dreg:$0x0] =	wrdreg $0x60  }
0xb4: {  	[dreg:$0x2] =	wrdreg s17  }
0xb5: {  	[dreg:$0x3] =	wrdreg s16  }
0xb6: {  	[dreg:$0x4] =	wrdreg s24  }
0xb7: {  	[dreg:$0x5] =	wrdreg $0x0  }
0xb8: {  	[dreg:$0x6] =	wrdreg $0x9  }
0xb9: {  	_ =	task.clear_ibuf [dreg:s8], $0x7FFFF;
	_ =	strace $0x90000049  }
0xba: {  	s29 =	simm.s32 $0x9;
	_ =	strace $0x8000004B  }
0xbb: {  	_ =	swait.ge [sflag:s29], $0x1  }
0xbc: {  	[sflag:s29] =	ssyncadd.s32 $0xFFFFFFFF  }
0xbd: {  	_ =	strace $0x9000004B  }
0xbe: {  	_ =	sfence  }
0xbf: {  	s30 =	sld [smem:$0x0];
	_ =	sdelay $0x2  }
0xc0: {  	s31 =	sshll.u32 s1, $0xD;
	s1 =	sshrl.u32 s1, $0x2  }
0xc1: {  	s3 =	sand.u32 $0x4000, s31;
	s1 =	sadd.s32 s1, s30  }
0xc2: {  	s0 =	sor.u32 s3, s0;
	s1 =	sshll.u32 s1, $0x11  }
0xc3: {  	s0 =	sor.u32 s1, s0  }
0xc4: {  	s0 =	sadd.s32 $0x8F2B, s0  }
0xc5: {  	[sflag:s0] =	ssyncadd.remote.s32 $0x1  }
0xc6: {  	_ =	sfence.sel $0xFFFF  }
0xc7: {  	[dreg:$0x0] =	wrdreg $0xFFFFFFFF;
	(pc) =	sbr.abs _section_cstart, $3  }
0xc8: {  	[dreg:$0x1] =	wrdreg $0xFFFFFFFF  }
0xc9: {  	_ =	task.clear_ibuf [dreg:s8], $0x2FFFF;
	_ =	strace $0x9FFFFFFF  }
0xca: {  	(tm) =	ssettm $0x7FFFFFFF  }
0xcb: {  	_ =	shalt  }
tec
execute0_lowered:
.L_overlay_start_1:
0x0: {  	(tag) =	ssettag $0x1  }
0x1: {  	s0 =	rddreg [dreg:$0x0]  }
0x2: {  	s2 =	rddreg [dreg:$0x1]  }
0x3: {  	s1 =	rddreg [dreg:$0x2]  }
0x4: {  	s3 =	rddreg [dreg:$0x3];
	s18 =	stileid.u32  }
0x5: {  	s6 =	srdreg.scid;
	s5 =	smul.u32 $0x280, s18  }
0x6: {  	s4 =	simm.s32 $0x0;
	s30 =	simm.s32 $0x19640;
	s10 =	smul.u32 $0x16800, s18  }
0x7: {  	s31 =	simm.s32 $0x3;
	s8 =	sand.u32 $0x1, s6;
	s14 =	smul.u32 $0x2D00, s18  }
0x8: {  	[smem:$0x7FF] =	sst s4;
	s6 =	sadd.s32 $0x13C00, s1;
	s16 =	smul.u32 $0x4E20, s18  }
0x9: {  	s12 =	sadd.s32 $0x9E00, s1;
	s9 =	smul.u32 $0x168000, s8;
	_ =	strace $0x8000004A  }
0xa: {  	s13 =	ssub.s32 $0x2, s8;
	p0 =	seq.s32 s8, $0x1;
	s7 =	sshrl.u32 s5, $0x3  }
0xb: {  	s15 =	sshrl.u32 s13, $0x1;
	s23 =	sshrl.u32 s16, $0x3;
	s0 =	sadd.s32 s0, s14  }
0xc: {  	s16 =	sadd.s32 s10, s3;
	s11 =	sadd.s32 s7, s1;
	s21 =	sadd.s32 s10, s9  }
0xd: {  	s15 =	ssub.s32 s13, s15;
	[dreg:$0x6] =	wrdreg s0;
	s25 =	sadd.s32 s1, s23  }
0xe: {  	s26 =	sadd.s32 s12, s23;
	s9 =	sshrl.u32 s9, $0x3;
	s8 =	sadd.s32 $0x9BA, s23  }
0xf: {  	s0 =	sshrl.u32 s16, $0x3;
	s10 =	simm.s32 $0x1C5C0;
	[dreg:$0x8] =	wrdreg s25  }
0x10: {  	s16 =	simm.s32 $0x0;
	s7 =	sshrl.u32 s21, $0x3;
	[dreg:$0x9] =	wrdreg s26  }
0x11: {  	s24 =	sadd.s32 $0x64200, s11;
	s11 =	smul.u32 $0x5A000, s18;
	[dreg:$0x12] =	wrdreg s0  }
0x12: {  	s19 =	smax.u32 s15, $0x1;
	s20 =	sadd.s32 s1, s8;
	[dreg:$0x7] =	wrdreg s24  }
0x13: {  	s21 =	smul.u32 $0x9C4, s18;
	s8 =	sadd.s32 s12, s8;
	[dreg:$0xb] =	wrdreg s19  }
0x14: {  	s0 =	simm.s32 $0x50;
	s15 =	simm.s32 $0x2;
	[dreg:$0xc] =	wrdreg s20  }
0x15: {  	s17 =	sadd.s32 s7, s1;
	s7 =	sadd.s32 $0x64800, s1;
	[dreg:$0x10] =	wrdreg s8  }
0x16: {  	s8 =	simm.s32 $0x16940;
	s22 =	sadd.s32 s7, s14;
	s13 =	sadd.s32 s7, s9  }
0x17: {  	s14 =	sadd.s32 $0xBE800, s17;
	s9 =	sshrl.u32 s11, $0x2;
	[dreg:$0x5] =	wrdreg s22  }
0x18: {  	s11 =	simm.s32 $0x16850;
	[dreg:$0xa] =	wrdreg s14;
	s17 =	sadd.s32 s9, s3  }
0x19: {  	s9 =	simm.s32 $0x1;
	s14 =	simm.s32 $0x168F0;
	s22 =	sadd.s32 $0x2D00, s17  }
0x1a: {  	s23 =	sadd.s32 $0x5A00, s17;
	s24 =	sadd.s32 $0x8700, s17;
	[dreg:$0xd] =	wrdreg s22  }
0x1b: {  	s25 =	sadd.s32 $0xB400, s17;
	s26 =	sadd.s32 $0xE100, s17;
	[dreg:$0xe] =	wrdreg s23  }
0x1c: {  	s28 =	sadd.s32 $0x10E00, s17;
	s29 =	sadd.s32 $0x13B00, s17;
	[dreg:$0xf] =	wrdreg s24  }
0x1d: {  	s22 =	sadd.s32 s21, s12;
	s23 =	sadd.s32 s21, s1;
	[dreg:$0x11] =	wrdreg s25  }
0x1e: {  	v0 =	vimm.f32 $0.0e+00;
	[dreg:$0x13] =	wrdreg s26;
	s1 =	simm.s32 $0x16800;
	s12 =	simm.s32 $0x168A0  }
.LBB2_1:
0x1f: {  	s18 =	simm.s32 $0x80;
	s19 =	simm.s32 $0x440  }
.LBB2_2:
0x20: {  	p1 =	sne.s32 s19, $0xB3C0;
	[tilespmem:s18+$0x19640] =	vst v0  }
0x21: {  	[tilespmem:s18+$0x195C0] =	vst v0  }
0x22: {  	[tilespmem:s18+$0x195D0] =	vst v0  }
0x23: {  	[tilespmem:s18+$0x195E0] =	vst v0  }
.Ltmp0:
0x24: {  	[tilespmem:s18+$0x195F0] =	vst v0;
	(pc) =	sbr.rel @p1 .LBB2_2-.Ltmp0, $4  }
0x25: {  	[tilespmem:s18+$0x19600] =	vst v0  }
0x26: {  	[tilespmem:s18+$0x19610] =	vst v0  }
0x27: {  	[tilespmem:s18+$0x19620] =	vst v0  }
0x28: {  	[tilespmem:s18+$0x19630] =	vst v0;
	s18 =	sshra.s32 s19, $0x2;
	s19 =	sadd.s32 $0x240, s19  }
0x29: {  	[tilespmem:s18+$0x19640] =	vst v0  }
0x2a: {  	[tilespmem:s18+$0x195C0] =	vst v0  }
0x2b: {  	[tilespmem:s18+$0x195D0] =	vst v0  }
0x2c: {  	[tilespmem:s18+$0x195E0] =	vst v0  }
0x2d: {  	[tilespmem:s18+$0x195F0] =	vst v0  }
0x2e: {  	[tilespmem:s18+$0x19600] =	vst v0  }
0x2f: {  	[tilespmem:s18+$0x19610] =	vst v0  }
0x30: {  	[tilespmem:s18+$0x19620] =	vst v0  }
0x31: {  	[tilespmem:s18+$0x19630] =	vst v0  }
0x32: {  	[spmem:s17] =	stream.linear.scatter [tilespmem:s30], [sflag:$0x3], $0x2D00, $0x38;
	[tilespmem:$0x1CAC0] =	vst v63  }
0x33: {  	_ =	swait.ge [sflag:s31], $0x2D00  }
0x34: {  	[sflag:s31] =	ssyncset.done $0x0  }
0x35: {  	s20 =	rddreg [dreg:$0xd];
	[sflag:s31] =	ssyncadd.s32 $0xFFFFD300  }
0x36: {  	[spmem:s20] =	stream.linear.scatter [tilespmem:s30], [sflag:$0x3], $0x2D00, $0x38;
	[tilespmem:$0x1CAC0] =	vst v63  }
0x37: {  	_ =	swait.ge [sflag:s31], $0x2D00  }
0x38: {  	[sflag:s31] =	ssyncset.done $0x0  }
0x39: {  	s21 =	rddreg [dreg:$0xe];
	[sflag:s31] =	ssyncadd.s32 $0xFFFFD300  }
0x3a: {  	[spmem:s21] =	stream.linear.scatter [tilespmem:s30], [sflag:$0x3], $0x2D00, $0x38;
	[tilespmem:$0x1CAC0] =	vst v63  }
0x3b: {  	_ =	swait.ge [sflag:s31], $0x2D00  }
0x3c: {  	[sflag:s31] =	ssyncset.done $0x0  }
0x3d: {  	s24 =	rddreg [dreg:$0xf];
	[sflag:s31] =	ssyncadd.s32 $0xFFFFD300  }
0x3e: {  	[spmem:s24] =	stream.linear.scatter [tilespmem:s30], [sflag:$0x3], $0x2D00, $0x38;
	[tilespmem:$0x1CAC0] =	vst v63  }
0x3f: {  	_ =	swait.ge [sflag:s31], $0x2D00  }
0x40: {  	[sflag:s31] =	ssyncset.done $0x0  }
0x41: {  	s25 =	rddreg [dreg:$0x11];
	[sflag:s31] =	ssyncadd.s32 $0xFFFFD300  }
0x42: {  	[spmem:s25] =	stream.linear.scatter [tilespmem:s30], [sflag:$0x3], $0x2D00, $0x38;
	[tilespmem:$0x1CAC0] =	vst v63  }
0x43: {  	_ =	swait.ge [sflag:s31], $0x2D00  }
0x44: {  	[sflag:s31] =	ssyncset.done $0x0  }
0x45: {  	s26 =	rddreg [dreg:$0x13];
	[sflag:s31] =	ssyncadd.s32 $0xFFFFD300  }
0x46: {  	[spmem:s26] =	stream.linear.scatter [tilespmem:s30], [sflag:$0x3], $0x2D00, $0x38;
	[tilespmem:$0x1CAC0] =	vst v63  }
0x47: {  	_ =	swait.ge [sflag:s31], $0x2D00  }
0x48: {  	[sflag:s31] =	ssyncset.done $0x0  }
0x49: {  	[sflag:s31] =	ssyncadd.s32 $0xFFFFD300  }
0x4a: {  	[spmem:s28] =	stream.linear.scatter [tilespmem:s30], [sflag:$0x3], $0x2D00, $0x38;
	[tilespmem:$0x1CAC0] =	vst v63  }
0x4b: {  	_ =	swait.ge [sflag:s31], $0x2D00  }
0x4c: {  	[sflag:s31] =	ssyncset.done $0x0  }
.Ltmp1:
0x4d: {  	[sflag:s31] =	ssyncadd.s32 $0xFFFFD300;
	(pc) =	sbr.rel @!p0 .LBB2_4-.Ltmp1, $4  }
0x4e: {  	[spmem:s29] =	stream.linear.scatter [tilespmem:s30], [sflag:$0x3], $0x2D00, $0x38;
	[tilespmem:$0x1CAC0] =	vst v63  }
0x4f: {  	_ =	swait.ge [sflag:s31], $0x2D00  }
0x50: {  	[sflag:s31] =	ssyncset.done $0x0  }
0x51: {  	[sflag:s31] =	ssyncadd.s32 $0xFFFFD300  }
0x52: {  	s18 =	simm.s32 $0x0;
	s19 =	rddreg [dreg:$0x7];
	s20 =	simm.s32 $0x1C340  }
0x53: {  	[tilespmem:s20], [sflag:$0x3] =	stream.linear.gather [hbm4b:s19+s18], $0x280, $0x38;
	[tilespmem:$0x1CAC0] =	vst v63  }
0x54: {  	_ =	swait.ge [sflag:s31], $0x280  }
0x55: {  	[sflag:s31] =	ssyncset.done $0x0  }
0x56: {  	s19 =	simm.s32 $0x0;
	[sflag:s31] =	ssyncadd.s32 $0xFFFFFD80  }
.LBB2_6:
0x57: {  	s20 =	smul.u32 $0x50, s19;
	_ =	sdelay $0x1  }
0x58: {  	s21 =	sadd.s32 $0x1C340, s20  }
0x59: {  	[tilespmem:s8], [sflag:$0x1] =	stream.indirect.gather [hbm4b:s2+s0], $0x90, s21, s0, $0xb8;
	[tilespmem:$0x1CAC0] =	vst v63  }
0x5a: {  	s20 =	sadd.s32 s5, s20;
	_ =	swait.ge [sflag:s9], $0x2D00  }
0x5b: {  	s26 =	sshll.u32 s20, $0x1;
	[sflag:s9] =	ssyncset.done $0x0  }
0x5c: {  	s21 =	sadd.s32 s6, s26;
	[sflag:s9] =	ssyncadd.s32 $0xFFFFD300  }
0x5d: {  	[tilespmem:s10], [sflag:$0x3] =	stream.linear.gather [hbm4b:s21+s18], $0x500, $0x38;
	[tilespmem:$0x1CAC0] =	vst v63  }
0x5e: {  	_ =	swait.ge [sflag:s31], $0x500  }
0x5f: {  	[sflag:s31] =	ssyncset.done $0x0  }
0x60: {  	s21 =	simm.s32 $0x16980;
	[sflag:s31] =	ssyncadd.s32 $0xFFFFFB00  }
0x61: {  	v6 =	vld [tilespmem:s21+$0xFFFFFFC0]  }
0x62: {  	v9 =	vld [tilespmem:s21+$0x30]  }
0x63: {  	s24 =	simm.s32 $0x0;
	v7 =	vld [tilespmem:s21+$0x40]  }
0x64: {  	v2 =	vld [tilespmem:s24+$0x1C5C0]  }
0x65: {  	v11 =	vld [tilespmem:s21+$0xFFFFFFE0]  }
0x66: {  	v1 =	vld [tilespmem:s21+$0xFFFFFFF0]  }
0x67: {  	v3 =	vld [tilespmem:s21+$0x20]  }
0x68: {  	v4 =	vld [tilespmem:s21+$0xFFFFFFD0]  }
0x69: {  	v5 =	vld [tilespmem:s21+$0x10]  }
0x6a: {  	v10 =	vmul.f32 v6, v2;
	v8 =	vmul.f32 v7, v2;
	v6 =	vld [tilespmem:s21+$0x0]  }
0x6b: {  	s25 =	simm.s32 $0x16980;
	s24 =	simm.s32 $0x40;
	v7 =	vmul.f32 v11, v2;
	v9 =	vmul.f32 v9, v2  }
.LBB2_7:
0x6c: {  	p1 =	sne.s32 s24, $0x13C0  }
0x6d: {  	[tilespmem:s21+$0xFFFFFFC0] =	vst v10;
	v4 =	vmul.f32 v4, v2;
	v3 =	vmul.f32 v3, v2;
	s25 =	sadd.s32 $0x90, s25;
	s26 =	smov.u32 s24;
	s24 =	sadd.s32 $0x40, s24  }
0x6e: {  	v10 =	vmul.f32 v1, v2;
	v5 =	vmul.f32 v5, v2;
	[tilespmem:s21+$0x40] =	vst v8  }
0x6f: {  	v2 =	vmul.f32 v6, v2;
	[tilespmem:s21+$0x30] =	vst v9  }
0x70: {  	[tilespmem:s21+$0xFFFFFFE0] =	vst v7  }
0x71: {  	v1 =	vld [tilespmem:s25+$0xFFFFFFF0];
	[tilespmem:s21+$0x10] =	vst v5  }
0x72: {  	v7 =	vld [tilespmem:s25+$0xFFFFFFC0];
	[tilespmem:s21+$0x0] =	vst v2  }
0x73: {  	v9 =	vld [tilespmem:s25+$0x30];
	[tilespmem:s21+$0xFFFFFFF0] =	vst v10  }
0x74: {  	v8 =	vld [tilespmem:s25+$0x40];
	[tilespmem:s21+$0x20] =	vst v3  }
0x75: {  	s26 =	sshra.s32 s26, $0x2;
	v11 =	vld [tilespmem:s25+$0xFFFFFFE0];
	[tilespmem:s21+$0xFFFFFFD0] =	vst v4;
	s21 =	smov.u32 s25  }
0x76: {  	v2 =	vld [tilespmem:s26+$0x1C5C0]  }
0x77: {  	v3 =	vld [tilespmem:s25+$0x20]  }
.Ltmp2:
0x78: {  	v4 =	vld [tilespmem:s25+$0xFFFFFFD0];
	(pc) =	sbr.rel @p1 .LBB2_7-.Ltmp2, $4  }
0x79: {  	v5 =	vld [tilespmem:s25+$0x10]  }
0x7a: {  	v6 =	vld [tilespmem:s25+$0x0]  }
0x7b: {  	v10 =	vmul.f32 v7, v2;
	v8 =	vmul.f32 v8, v2  }
0x7c: {  	v7 =	vmul.f32 v11, v2;
	v9 =	vmul.f32 v9, v2  }
0x7d: {  	[tilespmem:s21+$0xFFFFFFC0] =	vst v10  }
0x7e: {  	[tilespmem:s21+$0x40] =	vst v8  }
0x7f: {  	v1 =	vmul.f32 v1, v2;
	[tilespmem:s21+$0x30] =	vst v9  }
0x80: {  	v3 =	vmul.f32 v3, v2;
	[tilespmem:s21+$0xFFFFFFE0] =	vst v7  }
0x81: {  	s20 =	smul.u32 $0x90, s20;
	v5 =	vmul.f32 v5, v2;
	[tilespmem:s21+$0xFFFFFFF0] =	vst v1  }
0x82: {  	v6 =	vmul.f32 v6, v2;
	[tilespmem:s21+$0x20] =	vst v3  }
0x83: {  	v2 =	vmul.f32 v4, v2;
	s20 =	sshrl.u32 s20, $0x3;
	[tilespmem:s21+$0x10] =	vst v5  }
0x84: {  	s19 =	sadd.s32 $0x1, s19;
	s20 =	sadd.s32 s7, s20;
	[tilespmem:s21+$0x0] =	vst v6  }
0x85: {  	p1 =	sne.s32 s19, $0x8;
	[tilespmem:s21+$0xFFFFFFD0] =	vst v2;
	s20 =	sadd.s32 $0x2D000, s20  }
0x86: {  	[hbm4b:s20+s4] =	stream.linear.scatter [tilespmem:s8], [sflag:$0x3], $0x2D00, $0x38;
	[tilespmem:$0x1CAC0] =	vst v63  }
.Ltmp3:
0x87: {  	_ = 	snop;
	(pc) =	sbr.rel @p1 .LBB2_6-.Ltmp3, $4  }
.Ltmp4:
0x88: {  	_ = 	snop;
	(pc) =	sbr.rel @!p1 .LBB2_9-.Ltmp4, $4  }
0x89: {  	_ =	swait.ge [sflag:s31], $0x2D00  }
0x8a: {  	[sflag:s31] =	ssyncset.done $0x0  }
0x8b: {  	[sflag:s31] =	ssyncadd.s32 $0xFFFFD300  }
0x8c: {  	_ = 	snop  }
.LBB2_4:
0x8d: {  	s18 =	stileid.u32  }
0x8e: {  	s19 =	rddreg [dreg:$0x5];
	s18 =	sshll.u32 s18, $0x6  }
0x8f: {  	s20 =	rddreg [dreg:$0x6];
	s18 =	sor.u32 $0x1C03, s18  }
0x90: {  	[hbm:s19], [sflag:s18] =	dma.local [hbm:s20], $0x2D00  }
0x91: {  	_ =	swait.ge [sflag:s31], $0x2D00  }
0x92: {  	[sflag:s31] =	ssyncset.done $0x0  }
0x93: {  	[sflag:s31] =	ssyncadd.s32 $0xFFFFD300  }
.LBB2_9:
0x94: {  	[bflag:$0x0] =	sbarrier.arrive $0xFFFF  }
0x95: {  	s18 =	rddreg [dreg:$0x8]  }
0x96: {  	[tilespmem:s1], [sflag:$0x3] =	stream.linear.gather [hbm4b:s18+s4], $0x50, $0x38;
	[tilespmem:$0x1CAC0] =	vst v63  }
0x97: {  	_ =	swait.ge [sflag:s31], $0x50  }
0x98: {  	[sflag:s31] =	ssyncset.done $0x0  }
0x99: {  	s21 =	rddreg [dreg:$0x9];
	[sflag:s31] =	ssyncadd.s32 $0xFFFFFFB0  }
0x9a: {  	[tilespmem:s11], [sflag:$0x3] =	stream.linear.gather [hbm4b:s21+s4], $0x50, $0x38;
	[tilespmem:$0x1CAC0] =	vst v63  }
0x9b: {  	_ =	swait.ge [sflag:s31], $0x50  }
0x9c: {  	[sflag:s31] =	ssyncset.done $0x0  }
0x9d: {  	s24 =	sadd.s32 $0xFFFFF650, s23;
	[sflag:s31] =	ssyncadd.s32 $0xFFFFFFB0  }
0x9e: {  	[tilespmem:s8], [sflag:$0x1] =	stream.indirect.gather [hbm4b:s13+s0], $0x90, s1, s0, $0xb8;
	[tilespmem:$0x1CAC0] =	vst v63  }
0x9f: {  	s19 =	sadd.s32 $0x9BA, s24  }
0xa0: {  	[tilespmem:s12], [sflag:$0x3] =	stream.linear.gather [hbm4b:s19+s4], $0x50, $0x38;
	[tilespmem:$0x1CAC0] =	vst v63  }
0xa1: {  	_ =	swait.ge [sflag:s31], $0x50  }
0xa2: {  	s25 =	sadd.s32 $0xFFFFF650, s22;
	[sflag:s31] =	ssyncset.done $0x0  }
0xa3: {  	s20 =	sadd.s32 $0x9BA, s25;
	[sflag:s31] =	ssyncadd.s32 $0xFFFFFFB0  }
0xa4: {  	[tilespmem:s14], [sflag:$0x3] =	stream.linear.gather [hbm4b:s20+s4], $0x50, $0x38;
	[tilespmem:$0x1CAC0] =	vst v63  }
0xa5: {  	_ =	swait.ge [sflag:s31], $0x50  }
0xa6: {  	[sflag:s31] =	ssyncset.done $0x0  }
0xa7: {  	[sflag:s31] =	ssyncadd.s32 $0xFFFFFFB0  }
0xa8: {  	[tilespmem:s30], [sflag:$0x2] =	stream.indirect.gather [hbm4b:s13+s0], $0x90, s12, s0, $0xb8;
	[tilespmem:$0x1CAC0] =	vst v63  }
0xa9: {  	_ =	swait.ge [sflag:s9], $0x2D00  }
0xaa: {  	[sflag:s9] =	ssyncset.done $0x0  }
0xab: {  	[sflag:s9] =	ssyncadd.s32 $0xFFFFD300  }
0xac: {  	[spmem:s3] =	stream.indirect.scatter.add.f32 [tilespmem:s8], [sflag:$0x3], $0x90, s11, s0, $0xb8;
	[tilespmem:$0x1CAC0] =	vst v63  }
0xad: {  	_ =	swait.ge [sflag:s31], $0x2D00  }
0xae: {  	[sflag:s31] =	ssyncset.done $0x0  }
0xaf: {  	s18 =	sadd.s32 $0x9C4, s24;
	[sflag:s31] =	ssyncadd.s32 $0xFFFFD300  }
0xb0: {  	[tilespmem:s1], [sflag:$0x3] =	stream.linear.gather [hbm4b:s18+s4], $0x50, $0x38;
	[tilespmem:$0x1CAC0] =	vst v63  }
0xb1: {  	_ =	swait.ge [sflag:s31], $0x50  }
0xb2: {  	[sflag:s31] =	ssyncset.done $0x0  }
0xb3: {  	s26 =	sadd.s32 $0x9C4, s25;
	[sflag:s31] =	ssyncadd.s32 $0xFFFFFFB0  }
0xb4: {  	[tilespmem:s11], [sflag:$0x3] =	stream.linear.gather [hbm4b:s26+s4], $0x50, $0x38;
	[tilespmem:$0x1CAC0] =	vst v63  }
0xb5: {  	_ =	swait.ge [sflag:s31], $0x50  }
0xb6: {  	[sflag:s31] =	ssyncset.done $0x0  }
0xb7: {  	[sflag:s31] =	ssyncadd.s32 $0xFFFFFFB0  }
0xb8: {  	[tilespmem:s8], [sflag:$0x1] =	stream.indirect.gather [hbm4b:s13+s0], $0x90, s1, s0, $0xb8;
	[tilespmem:$0x1CAC0] =	vst v63  }
0xb9: {  	_ =	swait.ge [sflag:s15], $0x2D00  }
0xba: {  	[sflag:s15] =	ssyncset.done $0x0  }
0xbb: {  	[sflag:s15] =	ssyncadd.s32 $0xFFFFD300  }
0xbc: {  	[spmem:s3] =	stream.indirect.scatter.add.f32 [tilespmem:s30], [sflag:$0x3], $0x90, s14, s0, $0xb8;
	[tilespmem:$0x1CAC0] =	vst v63  }
0xbd: {  	s21 =	simm.s32 $0xFFFFF678;
	_ =	swait.ge [sflag:s31], $0x2D00  }
0xbe: {  	s20 =	sadd.s32 $0xFFFFF664, s23;
	s18 =	simm.s32 $0xFFFFF664;
	[sflag:s31] =	ssyncset.done $0x0  }
.LBB2_10:
0xbf: {  	s24 =	sadd.s32 $0x9BA, s20  }
0xc0: {  	[sflag:s31] =	ssyncadd.s32 $0xFFFFD300;
	s25 =	smov.u32 s21;
	s19 =	sadd.s32 $0x14, s21  }
0xc1: {  	[tilespmem:s12], [sflag:$0x3] =	stream.linear.gather [hbm4b:s24+s4], $0x50, $0x38;
	[tilespmem:$0x1CAC0] =	vst v63  }
0xc2: {  	p1 =	sne.s32 s21, $0xFFFFFFEC;
	_ =	swait.ge [sflag:s31], $0x50  }
0xc3: {  	s21 =	sadd.s32 s18, s22;
	s18 =	smov.u32 s25;
	[sflag:s31] =	ssyncset.done $0x0  }
0xc4: {  	s24 =	sadd.s32 $0x9BA, s21;
	[sflag:s31] =	ssyncadd.s32 $0xFFFFFFB0  }
0xc5: {  	[tilespmem:s14], [sflag:$0x3] =	stream.linear.gather [hbm4b:s24+s4], $0x50, $0x38;
	[tilespmem:$0x1CAC0] =	vst v63  }
0xc6: {  	_ =	swait.ge [sflag:s31], $0x50  }
0xc7: {  	[sflag:s31] =	ssyncset.done $0x0  }
0xc8: {  	[sflag:s31] =	ssyncadd.s32 $0xFFFFFFB0  }
0xc9: {  	[tilespmem:s30], [sflag:$0x2] =	stream.indirect.gather [hbm4b:s13+s0], $0x90, s12, s0, $0xb8;
	[tilespmem:$0x1CAC0] =	vst v63  }
0xca: {  	_ =	swait.ge [sflag:s9], $0x2D00  }
0xcb: {  	[sflag:s9] =	ssyncset.done $0x0  }
0xcc: {  	[sflag:s9] =	ssyncadd.s32 $0xFFFFD300  }
0xcd: {  	[spmem:s3] =	stream.indirect.scatter.add.f32 [tilespmem:s8], [sflag:$0x3], $0x90, s11, s0, $0xb8;
	[tilespmem:$0x1CAC0] =	vst v63  }
0xce: {  	_ =	swait.ge [sflag:s31], $0x2D00  }
0xcf: {  	[sflag:s31] =	ssyncset.done $0x0  }
0xd0: {  	s20 =	sadd.s32 $0x9C4, s20;
	[sflag:s31] =	ssyncadd.s32 $0xFFFFD300  }
0xd1: {  	[tilespmem:s1], [sflag:$0x3] =	stream.linear.gather [hbm4b:s20+s4], $0x50, $0x38;
	[tilespmem:$0x1CAC0] =	vst v63  }
0xd2: {  	_ =	swait.ge [sflag:s31], $0x50  }
0xd3: {  	[sflag:s31] =	ssyncset.done $0x0  }
0xd4: {  	s20 =	sadd.s32 $0x9C4, s21;
	[sflag:s31] =	ssyncadd.s32 $0xFFFFFFB0  }
0xd5: {  	[tilespmem:s11], [sflag:$0x3] =	stream.linear.gather [hbm4b:s20+s4], $0x50, $0x38;
	[tilespmem:$0x1CAC0] =	vst v63  }
0xd6: {  	_ =	swait.ge [sflag:s31], $0x50  }
0xd7: {  	[sflag:s31] =	ssyncset.done $0x0  }
0xd8: {  	[sflag:s31] =	ssyncadd.s32 $0xFFFFFFB0  }
0xd9: {  	[tilespmem:s8], [sflag:$0x1] =	stream.indirect.gather [hbm4b:s13+s0], $0x90, s1, s0, $0xb8;
	[tilespmem:$0x1CAC0] =	vst v63  }
0xda: {  	_ =	swait.ge [sflag:s15], $0x2D00  }
.Ltmp5:
0xdb: {  	[sflag:s15] =	ssyncset.done $0x0;
	(pc) =	sbr.rel @p1 .LBB2_10-.Ltmp5, $4  }
0xdc: {  	[sflag:s15] =	ssyncadd.s32 $0xFFFFD300  }
0xdd: {  	[spmem:s3] =	stream.indirect.scatter.add.f32 [tilespmem:s30], [sflag:$0x3], $0x90, s14, s0, $0xb8;
	[tilespmem:$0x1CAC0] =	vst v63  }
0xde: {  	_ =	swait.ge [sflag:s31], $0x2D00  }
0xdf: {  	s21 =	smov.u32 s19;
	s20 =	sadd.s32 s18, s23;
	[sflag:s31] =	ssyncset.done $0x0  }
0xe0: {  	s19 =	sadd.s32 $0x9BA, s20;
	[sflag:s31] =	ssyncadd.s32 $0xFFFFD300  }
0xe1: {  	[tilespmem:s12], [sflag:$0x3] =	stream.linear.gather [hbm4b:s19+s4], $0x50, $0x38;
	[tilespmem:$0x1CAC0] =	vst v63  }
0xe2: {  	_ =	swait.ge [sflag:s31], $0x50  }
0xe3: {  	s18 =	sadd.s32 s18, s22;
	[sflag:s31] =	ssyncset.done $0x0  }
0xe4: {  	s25 =	sadd.s32 $0x9BA, s18;
	[sflag:s31] =	ssyncadd.s32 $0xFFFFFFB0  }
0xe5: {  	[tilespmem:s14], [sflag:$0x3] =	stream.linear.gather [hbm4b:s25+s4], $0x50, $0x38;
	[tilespmem:$0x1CAC0] =	vst v63  }
0xe6: {  	_ =	swait.ge [sflag:s31], $0x50  }
0xe7: {  	[sflag:s31] =	ssyncset.done $0x0  }
0xe8: {  	[sflag:s31] =	ssyncadd.s32 $0xFFFFFFB0  }
0xe9: {  	[tilespmem:s30], [sflag:$0x2] =	stream.indirect.gather [hbm4b:s13+s0], $0x90, s12, s0, $0xb8;
	[tilespmem:$0x1CAC0] =	vst v63  }
0xea: {  	_ =	swait.ge [sflag:s9], $0x2D00  }
0xeb: {  	[sflag:s9] =	ssyncset.done $0x0  }
0xec: {  	[sflag:s9] =	ssyncadd.s32 $0xFFFFD300  }
0xed: {  	[spmem:s3] =	stream.indirect.scatter.add.f32 [tilespmem:s8], [sflag:$0x3], $0x90, s11, s0, $0xb8;
	[tilespmem:$0x1CAC0] =	vst v63  }
0xee: {  	_ =	swait.ge [sflag:s31], $0x2D00  }
0xef: {  	[sflag:s31] =	ssyncset.done $0x0  }
0xf0: {  	s26 =	sadd.s32 $0x9C4, s20;
	[sflag:s31] =	ssyncadd.s32 $0xFFFFD300  }
0xf1: {  	[tilespmem:s1], [sflag:$0x3] =	stream.linear.gather [hbm4b:s26+s4], $0x50, $0x38;
	[tilespmem:$0x1CAC0] =	vst v63  }
0xf2: {  	_ =	swait.ge [sflag:s31], $0x50  }
0xf3: {  	[sflag:s31] =	ssyncset.done $0x0  }
0xf4: {  	s18 =	sadd.s32 $0x9C4, s18;
	[sflag:s31] =	ssyncadd.s32 $0xFFFFFFB0  }
0xf5: {  	[tilespmem:s11], [sflag:$0x3] =	stream.linear.gather [hbm4b:s18+s4], $0x50, $0x38;
	[tilespmem:$0x1CAC0] =	vst v63  }
0xf6: {  	_ =	swait.ge [sflag:s31], $0x50  }
0xf7: {  	[sflag:s31] =	ssyncset.done $0x0  }
0xf8: {  	[sflag:s31] =	ssyncadd.s32 $0xFFFFFFB0  }
0xf9: {  	[tilespmem:s8], [sflag:$0x1] =	stream.indirect.gather [hbm4b:s13+s0], $0x90, s1, s0, $0xb8;
	[tilespmem:$0x1CAC0] =	vst v63  }
0xfa: {  	_ =	swait.ge [sflag:s15], $0x2D00  }
0xfb: {  	[sflag:s15] =	ssyncset.done $0x0  }
0xfc: {  	[sflag:s15] =	ssyncadd.s32 $0xFFFFD300  }
0xfd: {  	[spmem:s3] =	stream.indirect.scatter.add.f32 [tilespmem:s30], [sflag:$0x3], $0x90, s14, s0, $0xb8;
	[tilespmem:$0x1CAC0] =	vst v63  }
0xfe: {  	_ =	swait.ge [sflag:s31], $0x2D00  }
0xff: {  	[sflag:s31] =	ssyncset.done $0x0  }
0x100: {  	s19 =	rddreg [dreg:$0xc];
	[sflag:s31] =	ssyncadd.s32 $0xFFFFD300  }
0x101: {  	[tilespmem:s12], [sflag:$0x3] =	stream.linear.gather [hbm4b:s19+s4], $0x50, $0x38;
	[tilespmem:$0x1CAC0] =	vst v63  }
0x102: {  	_ =	swait.ge [sflag:s31], $0x50  }
0x103: {  	[sflag:s31] =	ssyncset.done $0x0  }
0x104: {  	s20 =	rddreg [dreg:$0x10];
	[sflag:s31] =	ssyncadd.s32 $0xFFFFFFB0  }
0x105: {  	[tilespmem:s14], [sflag:$0x3] =	stream.linear.gather [hbm4b:s20+s4], $0x50, $0x38;
	[tilespmem:$0x1CAC0] =	vst v63  }
0x106: {  	_ =	swait.ge [sflag:s31], $0x50  }
0x107: {  	[sflag:s31] =	ssyncset.done $0x0  }
0x108: {  	[sflag:s31] =	ssyncadd.s32 $0xFFFFFFB0  }
0x109: {  	[tilespmem:s30], [sflag:$0x2] =	stream.indirect.gather [hbm4b:s13+s0], $0x90, s12, s0, $0xb8;
	[tilespmem:$0x1CAC0] =	vst v63  }
0x10a: {  	_ =	swait.ge [sflag:s9], $0x2D00  }
0x10b: {  	[sflag:s9] =	ssyncset.done $0x0  }
0x10c: {  	[sflag:s9] =	ssyncadd.s32 $0xFFFFD300  }
0x10d: {  	[spmem:s3] =	stream.indirect.scatter.add.f32 [tilespmem:s8], [sflag:$0x3], $0x90, s11, s0, $0xb8;
	[tilespmem:$0x1CAC0] =	vst v63  }
0x10e: {  	_ =	swait.ge [sflag:s31], $0x2D00  }
0x10f: {  	[sflag:s31] =	ssyncset.done $0x0  }
0x110: {  	[sflag:s31] =	ssyncadd.s32 $0xFFFFD300  }
0x111: {  	_ =	swait.ge [sflag:s15], $0x2D00  }
0x112: {  	[sflag:s15] =	ssyncset.done $0x0  }
0x113: {  	[sflag:s15] =	ssyncadd.s32 $0xFFFFD300  }
0x114: {  	[spmem:s3] =	stream.indirect.scatter.add.f32 [tilespmem:s30], [sflag:$0x3], $0x90, s14, s0, $0xb8;
	[tilespmem:$0x1CAC0] =	vst v63  }
0x115: {  	_ =	swait.ge [sflag:s31], $0x2D00  }
0x116: {  	[sflag:s31] =	ssyncset.done $0x0  }
0x117: {  	[sflag:s31] =	ssyncadd.s32 $0xFFFFD300  }
0x118: {  	s21 =	stileid.u32;
	[bflag:$0x0] =	sbarrier.arrive $0xFFFF  }
0x119: {  	s18 =	sshll.u32 s21, $0x6;
	s24 =	rddreg [dreg:$0xa]  }
0x11a: {  	s18 =	sor.u32 $0x1C03, s18;
	s25 =	rddreg [dreg:$0x12]  }
0x11b: {  	[hbm:s24], [sflag:s18] =	dma.local [spmem:s25], $0x2D00  }
0x11c: {  	_ =	swait.ge [sflag:s31], $0x2D00  }
0x11d: {  	s16 =	sadd.s32 $0x1, s16;
	s26 =	rddreg [dreg:$0xb]  }
0x11e: {  	p1 =	sne.s32 s16, s26  }
.Ltmp6:
0x11f: {  	_ = 	snop;
	(pc) =	sbr.rel @p1 .LBB2_1-.Ltmp6, $3  }
0x120: {  	_ =	sdelay $0x1  }
0x121: {  	[sflag:s31] =	ssyncset.done $0x0  }
0x122: {  	[sflag:s31] =	ssyncadd.s32 $0xFFFFD300  }
0x123: {  	_ =	sfence.sel $0x180000  }
0x124: {  	[bflag:$0x0] =	sbarrier.arrive $0xFFFF  }
0x125: {  	_ =	strace $0x9000004A  }
0x126: {  	s0 =	stileid.u32;
	[bflag:$0x2] =	sbarrier.arrive $0xFFFF  }
0x127: {  	p0 =	sne.s32 s0, $0x0;
	s0 =	rddreg [dreg:$0x4]  }
0x128: {  	s0 =	sadd.s32 @!p0 $0x100000, s0  }
0x129: {  	[sflag:s0] =	ssyncadd.tile.s32 @!p0 $0x1;
	_ =	shalt  }
.Lfunc_end2:
_tile_overlayer_lowered:
.L_overlay_start_2:
0x12a: {  	(tag) =	ssettag $0x2  }
0x12b: {  	s0 =	rddreg [dreg:$0x0];
	s2 =	stileid.u32  }
0x12c: {  	s1 =	rddreg [dreg:$0x1];
	p0 =	sne.s32 s2, $0x0  }
0x12d: {  	s3 =	rddreg [dreg:$0x2];
	[bflag:$0x3] =	sbarrier.arrive $0xFFFF;
	s2 =	simm.s32 @!p0 $0x1C03  }
0x12e: {  	[timem:s3], [sflag:s2] =	dma.local @!p0 [hbm:s0], s1  }
0x12f: {  	s0 =	simm.s32 @!p0 $0x3  }
0x130: {  	_ =	swait.ge @!p0 [sflag:s0], s1  }
0x131: {  	s1 =	ssub.s32 @!p0 $0x0, s1;
	[sflag:s0] =	ssyncset.done @!p0 $0x0  }
0x132: {  	[sflag:s0] =	ssyncadd.s32 @!p0 s1  }
0x133: {  	[bflag:$0x3] =	sbarrier.arrive $0xFFFF  }
0x134: {  	_ =	shalt  }

</sc_bundles>
